<compile_context>
chip_gen: v7x
topology: tpu7x:2x2x1
jax: 0.10.2.dev20260603
libtpu: 0.0.44.dev20260713+nightly
codegen_flags: <defaults>
</compile_context>

<pallas_src>
import functools
import math

import jax
import jax.numpy as jnp
from jax import lax
from jax.experimental import pallas as pl
from jax.experimental.pallas import tpu as pltpu
from jax.experimental.pallas import tpu_sc as plsc

VOCAB = 1000000
D_MODEL = 64
DPAD = 128
ROWS = 4096
COLS = 200
B = ROWS * COLS
NC = 2
NS = 16
NW = NC * NS
XPW = ROWS // NW
BPW = B // NW
CHUNK = COLS
NCH = XPW
NBUF = 4
SCALE = math.sqrt(D_MODEL)

_mesh = plsc.VectorSubcoreMesh(core_axis_name="c", subcore_axis_name="s")


@functools.partial(
    pl.kernel,
    mesh=_mesh,
    out_type=jax.ShapeDtypeStruct((ROWS, COLS, DPAD), jnp.float32),
    scratch_types=[pltpu.VMEM((BPW,), jnp.int32)]
    + [pltpu.VMEM((CHUNK, D_MODEL), jnp.float32)] * NBUF
    + [pltpu.SemaphoreType.DMA] * (2 * NBUF),
    compiler_params=pltpu.CompilerParams(use_tc_tiling_on_sc=False,
                                         needs_layout_passes=False),
)
def _embed(x_hbm, lut_hbm, out_hbm, idx_v,
           r0, r1, r2, r3, g0, g1, g2, g3, s0, s1, s2, s3):
    rows = (r0, r1, r2, r3)
    gsem = (g0, g1, g2, g3)
    ssem = (s0, s1, s2, s3)
    wid = lax.axis_index("s") * NC + lax.axis_index("c")
    xbase = wid * XPW
    pltpu.sync_copy(x_hbm.at[pl.ds(wid * BPW, BPW)], idx_v)

    def start_gather(g, b):
        pltpu.async_copy(
            lut_hbm.at[idx_v.at[pl.ds(g * CHUNK, CHUNK)]], rows[b], gsem[b])

    def wait_gather(b):
        pltpu.make_async_copy(
            lut_hbm.at[idx_v.at[pl.ds(0, CHUNK)]], rows[b], gsem[b]).wait()

    def out_block(g):
        return out_hbm.at[xbase + g, :, pl.ds(0, D_MODEL)]

    def wait_store(b):
        pltpu.make_async_copy(rows[b], out_block(0), ssem[b]).wait()

    def scale(buf):
        def body(i, c):
            r = i * 4
            for k in range(4):
                for j in range(D_MODEL // 16):
                    sl = pl.ds(j * 16, 16)
                    buf[r + k, sl] = buf[r + k, sl] * SCALE
            return c
        lax.fori_loop(0, CHUNK // 4, body, 0)

    for b in range(NBUF - 1):
        start_gather(b, b)

    def group(t, carry):
        for bb in range(NBUF):
            g = t * NBUF + bb
            gl = g + NBUF - 1
            bl = (bb + NBUF - 1) % NBUF

            @pl.when(gl < NCH)
            def _():
                @pl.when(gl >= NBUF)
                def _():
                    wait_store(bl)
                start_gather(gl, bl)

            wait_gather(bb)
            scale(rows[bb])
            pltpu.async_copy(rows[bb], out_block(g), ssem[bb])
        return carry

    lax.fori_loop(0, NCH // NBUF, group, 0)
    for b in range(NBUF):
        wait_store(b)


def kernel(x, lut):
    out = _embed(x.reshape(B), lut)
    return out[:, :, :D_MODEL]

# --- scband reference (transcript-rebuilt; emitter-appended) ---
"""Pipeline reference for scband-embeddings-68169720922548 (READ-ONLY COPY).

The authoritative reference and input builder live on the scoring server;
editing this copy changes nothing except your own understanding.
"""

import jax, jax.numpy as jnp
import numpy as np
import math

VOCAB = 1000000
D_MODEL = 64

def setup_inputs(seed: int = 0) -> dict:
    key = jax.random.key(seed)
    k1, k2 = jax.random.split(key)
    x = jax.random.randint(k1, (4096, 200), 0, VOCAB, dtype=jnp.int64 if jax.config.read('jax_enable_x64') else jnp.int32)
    lut = jax.random.normal(k2, (VOCAB, D_MODEL), dtype=jnp.float32)
    return {"x": x, "lut": lut}

def reference(x, lut):
    # Embeddings.forward: self.lut(x) * sqrt(d_model)
    emb = jnp.take(lut, x, axis=0)
    return emb * math.sqrt(D_MODEL)

if __name__ == "__main__":
    import jax
    _d = setup_inputs()
    print(jax.jit(kernel)(*tuple(_d.values())))

</pallas_src>

<mosaic_0001>
#map = affine_map<(d0, d1) -> (0)>
#map1 = affine_map<(d0, d1) -> (0, 0)>
#map2 = affine_map<(d0, d1) -> (0, 0, 0)>
module attributes {stable_mosaic.version = 14 : i64} {
  func.func @_embed(%arg0: i32, %arg1: i32, %arg2: memref<819200xi32, #tpu.memory_space<hbm>>, %arg3: memref<1000000x64xf32, #tpu.memory_space<hbm>>, %arg4: memref<4096x200x128xf32, #tpu.memory_space<hbm>>, %arg5: memref<25600xi32, #tpu.memory_space<vmem>>, %arg6: memref<200x64xf32, #tpu.memory_space<vmem>>, %arg7: memref<200x64xf32, #tpu.memory_space<vmem>>, %arg8: memref<200x64xf32, #tpu.memory_space<vmem>>, %arg9: memref<200x64xf32, #tpu.memory_space<vmem>>, %arg10: memref<!tpu.dma_semaphore, #tpu.memory_space<semaphore_mem>>, %arg11: memref<!tpu.dma_semaphore, #tpu.memory_space<semaphore_mem>>, %arg12: memref<!tpu.dma_semaphore, #tpu.memory_space<semaphore_mem>>, %arg13: memref<!tpu.dma_semaphore, #tpu.memory_space<semaphore_mem>>, %arg14: memref<!tpu.dma_semaphore, #tpu.memory_space<semaphore_mem>>, %arg15: memref<!tpu.dma_semaphore, #tpu.memory_space<semaphore_mem>>, %arg16: memref<!tpu.dma_semaphore, #tpu.memory_space<semaphore_mem>>, %arg17: memref<!tpu.dma_semaphore, #tpu.memory_space<semaphore_mem>>) attributes {dimension_semantics = [#tpu.dimension_semantics<core_parallel>, #tpu.dimension_semantics<subcore_parallel>], iteration_bounds = array<i64: 2, 16>, scalar_prefetch = 0 : i64, scratch_operands = 13 : i64, tpu.core_type = #tpu.core_type<sc_vector_subcore>, window_params = [{transform_indices = #map}, {transform_indices = #map1}, {transform_indices = #map2}]} {
    %mul3A = arith.constant 2 : i32
    %mul3A_0 = arith.muli %arg1, %mul3A : i32
    %add3A = arith.addi %mul3A_0, %arg0 : i32
    %mul3A_1 = arith.constant 128 : i32
    %mul3A_2 = arith.muli %add3A, %mul3A_1 : i32
    %mul3A_3 = arith.constant 25600 : i32
    %mul3A_4 = arith.muli %add3A, %mul3A_3 : i32
    "tpu.region"() ({
      %run_scoped3A = tpu.sem_alloc : memref<!tpu.dma_semaphore, #tpu.memory_space<semaphore_mem>>
      %dma_start3A_63 = tpu.memref_slice %arg2[%mul3A_4] : memref<819200xi32, #tpu.memory_space<hbm>> -> memref<25600xi32, #tpu.memory_space<hbm>>
      %dma_start3A_64 = tpu.memref_slice %arg2[%mul3A_4] : memref<819200xi32, #tpu.memory_space<hbm>> -> memref<25600xi32, #tpu.memory_space<hbm>>
      tpu.enqueue_dma source(%dma_start3A_64 : memref<25600xi32, #tpu.memory_space<hbm>>) target(%arg5 : memref<25600xi32, #tpu.memory_space<vmem>>) target_semaphore(%run_scoped3A : memref<!tpu.dma_semaphore, #tpu.memory_space<semaphore_mem>>)
      %dma_wait3A_65 = tpu.memref_slice %arg2[%mul3A_4] : memref<819200xi32, #tpu.memory_space<hbm>> -> memref<25600xi32, #tpu.memory_space<hbm>>
      %dma_wait3A_66 = tpu.memref_slice %arg2[%mul3A_4] : memref<819200xi32, #tpu.memory_space<hbm>> -> memref<25600xi32, #tpu.memory_space<hbm>>
      tpu.wait_dma2 semaphore(%run_scoped3A : memref<!tpu.dma_semaphore, #tpu.memory_space<semaphore_mem>>) src(%dma_wait3A_66 : memref<25600xi32, #tpu.memory_space<hbm>>) dst(%arg5 : memref<25600xi32, #tpu.memory_space<vmem>>)
      tpu.yield
    }) : () -> ()
    %dma_start3A = arith.constant 0 : i32
    %dma_start3A_5 = tpu.memref_slice %arg5[%dma_start3A] : memref<25600xi32, #tpu.memory_space<vmem>> -> memref<200xi32, #tpu.memory_space<vmem>>
    %dma_start3A_6 = arith.constant 0 : i32
    %dma_start3A_7 = arith.constant 0 : i32
    %dma_start3A_8 = tpu.memref_slice %arg3[%dma_start3A_6, %dma_start3A_7] : memref<1000000x64xf32, #tpu.memory_space<hbm>> -> memref<1000000x64xf32, #tpu.memory_space<hbm>>
    tpu.enqueue_indirect_dma source(%dma_start3A_8 : memref<1000000x64xf32, #tpu.memory_space<hbm>>) target(%arg6 : memref<200x64xf32, #tpu.memory_space<vmem>>) offsets(%dma_start3A_5 : memref<200xi32, #tpu.memory_space<vmem>>) semaphore(%arg10 : memref<!tpu.dma_semaphore, #tpu.memory_space<semaphore_mem>>)
    %dma_start3A_9 = arith.constant 200 : i32
    %dma_start3A_10 = tpu.memref_slice %arg5[%dma_start3A_9] : memref<25600xi32, #tpu.memory_space<vmem>> -> memref<200xi32, #tpu.memory_space<vmem>>
    %dma_start3A_11 = arith.constant 0 : i32
    %dma_start3A_12 = arith.constant 0 : i32
    %dma_start3A_13 = tpu.memref_slice %arg3[%dma_start3A_11, %dma_start3A_12] : memref<1000000x64xf32, #tpu.memory_space<hbm>> -> memref<1000000x64xf32, #tpu.memory_space<hbm>>
    tpu.enqueue_indirect_dma source(%dma_start3A_13 : memref<1000000x64xf32, #tpu.memory_space<hbm>>) target(%arg7 : memref<200x64xf32, #tpu.memory_space<vmem>>) offsets(%dma_start3A_10 : memref<200xi32, #tpu.memory_space<vmem>>) semaphore(%arg11 : memref<!tpu.dma_semaphore, #tpu.memory_space<semaphore_mem>>)
    %dma_start3A_14 = arith.constant 400 : i32
    %dma_start3A_15 = tpu.memref_slice %arg5[%dma_start3A_14] : memref<25600xi32, #tpu.memory_space<vmem>> -> memref<200xi32, #tpu.memory_space<vmem>>
    %dma_start3A_16 = arith.constant 0 : i32
    %dma_start3A_17 = arith.constant 0 : i32
    %dma_start3A_18 = tpu.memref_slice %arg3[%dma_start3A_16, %dma_start3A_17] : memref<1000000x64xf32, #tpu.memory_space<hbm>> -> memref<1000000x64xf32, #tpu.memory_space<hbm>>
    tpu.enqueue_indirect_dma source(%dma_start3A_18 : memref<1000000x64xf32, #tpu.memory_space<hbm>>) target(%arg8 : memref<200x64xf32, #tpu.memory_space<vmem>>) offsets(%dma_start3A_15 : memref<200xi32, #tpu.memory_space<vmem>>) semaphore(%arg12 : memref<!tpu.dma_semaphore, #tpu.memory_space<semaphore_mem>>)
    %scan3A = arith.constant 0 : i32
    %scan3A_19 = arith.constant 0 : i32
    %scan3A_20 = arith.constant 32 : i32
    %scan3A_21 = arith.addi %scan3A_19, %scan3A_20 : i32
    %scan3A_22 = arith.constant 1 : i32
    scf.for %scan3A_63 = %scan3A_19 to %scan3A_21 step %scan3A_22  : i32 {
      %mul3A_64 = arith.constant 4 : i32
      %mul3A_65 = arith.muli %scan3A_63, %mul3A_64 : i32
      %add3A_66 = arith.constant 0 : i32
      %add3A_67 = arith.addi %mul3A_65, %add3A_66 : i32
      %add3A_68 = arith.constant 4 : i32
      %add3A_69 = arith.addi %add3A_67, %add3A_68 : i32
      %sub3A = arith.constant 1 : i32
      %sub3A_70 = arith.subi %add3A_69, %sub3A : i32
      %lt3A = arith.constant 128 : i32
      %lt3A_71 = arith.cmpi slt, %sub3A_70, %lt3A : i32
      %convert_element_type3A = arith.extui %lt3A_71 : i1 to i32
      %cond3A = arith.constant 0 : i32
      %cond3A_72 = arith.cmpi ne, %convert_element_type3A, %cond3A : i32
      scf.if %cond3A_72 {
        %ge3A = arith.constant 4 : i32
        %ge3A_192 = arith.cmpi sge, %sub3A_70, %ge3A : i32
        %convert_element_type3A_193 = arith.extui %ge3A_192 : i1 to i32
        %cond3A_194 = arith.constant 0 : i32
        %cond3A_195 = arith.cmpi ne, %convert_element_type3A_193, %cond3A_194 : i32
        scf.if %cond3A_195 {
          %add3A_202 = arith.constant 0 : i32
          %add3A_203 = arith.addi %mul3A_2, %add3A_202 : i32
          %dma_wait3A_204 = arith.constant 0 : i32
          %dma_wait3A_205 = arith.constant 0 : i32
          %dma_wait3A_206 = tpu.memref_slice %arg4[%add3A_203, %dma_wait3A_204, %dma_wait3A_205] : memref<4096x200x128xf32, #tpu.memory_space<hbm>> -> memref<1x200x64xf32, #tpu.memory_space<hbm>>
          %dma_wait3A_207 = tpu.memref_squeeze %dma_wait3A_206 : memref<1x200x64xf32, #tpu.memory_space<hbm>> -> memref<200x64xf32, #tpu.memory_space<hbm>>
          %dma_wait3A_208 = arith.constant 0 : i32
          %dma_wait3A_209 = arith.constant 0 : i32
          %dma_wait3A_210 = tpu.memref_slice %arg4[%add3A_203, %dma_wait3A_208, %dma_wait3A_209] : memref<4096x200x128xf32, #tpu.memory_space<hbm>> -> memref<1x200x64xf32, #tpu.memory_space<hbm>>
          %dma_wait3A_211 = tpu.memref_squeeze %dma_wait3A_210 : memref<1x200x64xf32, #tpu.memory_space<hbm>> -> memref<200x64xf32, #tpu.memory_space<hbm>>
          tpu.wait_dma2 semaphore(%arg17 : memref<!tpu.dma_semaphore, #tpu.memory_space<semaphore_mem>>) src(%arg9 : memref<200x64xf32, #tpu.memory_space<vmem>>) dst(%dma_wait3A_211 : memref<200x64xf32, #tpu.memory_space<hbm>>)
        } else {
        }
        %mul3A_196 = arith.constant 200 : i32
        %mul3A_197 = arith.muli %sub3A_70, %mul3A_196 : i32
        %dma_start3A_198 = tpu.memref_slice %arg5[%mul3A_197] : memref<25600xi32, #tpu.memory_space<vmem>> -> memref<200xi32, #tpu.memory_space<vmem>>
        %dma_start3A_199 = arith.constant 0 : i32
        %dma_start3A_200 = arith.constant 0 : i32
        %dma_start3A_201 = tpu.memref_slice %arg3[%dma_start3A_199, %dma_start3A_200] : memref<1000000x64xf32, #tpu.memory_space<hbm>> -> memref<1000000x64xf32, #tpu.memory_space<hbm>>
        tpu.enqueue_indirect_dma source(%dma_start3A_201 : memref<1000000x64xf32, #tpu.memory_space<hbm>>) target(%arg9 : memref<200x64xf32, #tpu.memory_space<vmem>>) offsets(%dma_start3A_198 : memref<200xi32, #tpu.memory_space<vmem>>) semaphore(%arg13 : memref<!tpu.dma_semaphore, #tpu.memory_space<semaphore_mem>>)
      } else {
      }
      %dma_wait3A_73 = arith.constant 0 : i32
      %dma_wait3A_74 = tpu.memref_slice %arg5[%dma_wait3A_73] : memref<25600xi32, #tpu.memory_space<vmem>> -> memref<200xi32, #tpu.memory_space<vmem>>
      %dma_wait3A_75 = arith.constant 0 : i32
      %dma_wait3A_76 = arith.constant 0 : i32
      %dma_wait3A_77 = tpu.memref_slice %arg3[%dma_wait3A_75, %dma_wait3A_76] : memref<1000000x64xf32, #tpu.memory_space<hbm>> -> memref<1000000x64xf32, #tpu.memory_space<hbm>>
      tpu.wait_indirect_dma semaphore(%arg10 : memref<!tpu.dma_semaphore, #tpu.memory_space<semaphore_mem>>) src(%dma_wait3A_77 : memref<1000000x64xf32, #tpu.memory_space<hbm>>) dst(%arg6 : memref<200x64xf32, #tpu.memory_space<vmem>>)
      %scan3A_78 = arith.constant 0 : i32
      %scan3A_79 = arith.constant 0 : i32
      %scan3A_80 = arith.constant 50 : i32
      %scan3A_81 = arith.addi %scan3A_79, %scan3A_80 : i32
      %scan3A_82 = arith.constant 1 : i32
      scf.for %scan3A_192 = %scan3A_79 to %scan3A_81 step %scan3A_82  : i32 {
        %mul3A_193 = arith.constant 4 : i32
        %mul3A_194 = arith.muli %scan3A_192, %mul3A_193 : i32
        %add3A_195 = arith.constant 0 : i32
        %add3A_196 = arith.addi %mul3A_194, %add3A_195 : i32
        %get3A = arith.index_cast %add3A_196 : i32 to index
        %get3A_197 = arith.constant 0 : index
        %get3A_198 = tpu.vector_load %arg6[%get3A, %get3A_197] {strides = array<i32>} : memref<200x64xf32, #tpu.memory_space<vmem>>, vector<16xf32>,
        %mul3A_199 = arith.constant 8.000000e+00 : f32
        %mul3A_200 = vector.broadcast %mul3A_199 : f32 to vector<16xf32>
        %mul3A_201 = arith.mulf %get3A_198, %mul3A_200 : vector<16xf32>
        %add3A_202 = arith.constant 0 : i32
        %add3A_203 = arith.addi %mul3A_194, %add3A_202 : i32
        %swap3A = arith.index_cast %add3A_203 : i32 to index
        %swap3A_204 = arith.constant 0 : index
        %swap3A_205 = tpu.vector_load %arg6[%swap3A, %swap3A_204] {strides = array<i32>} : memref<200x64xf32, #tpu.memory_space<vmem>>, vector<16xf32>,
        tpu.vector_store %arg6[%swap3A, %swap3A_204], %mul3A_201 {strides = array<i32>} : memref<200x64xf32, #tpu.memory_space<vmem>>, vector<16xf32>,
        %add3A_206 = arith.constant 0 : i32
        %add3A_207 = arith.addi %mul3A_194, %add3A_206 : i32
        %get3A_208 = arith.index_cast %add3A_207 : i32 to index
        %get3A_209 = arith.constant 16 : index
        %get3A_210 = tpu.vector_load %arg6[%get3A_208, %get3A_209] {strides = array<i32>} : memref<200x64xf32, #tpu.memory_space<vmem>>, vector<16xf32>,
        %mul3A_211 = arith.constant 8.000000e+00 : f32
        %mul3A_212 = vector.broadcast %mul3A_211 : f32 to vector<16xf32>
        %mul3A_213 = arith.mulf %get3A_210, %mul3A_212 : vector<16xf32>
        %add3A_214 = arith.constant 0 : i32
        %add3A_215 = arith.addi %mul3A_194, %add3A_214 : i32
        %swap3A_216 = arith.index_cast %add3A_215 : i32 to index
        %swap3A_217 = arith.constant 16 : index
        %swap3A_218 = tpu.vector_load %arg6[%swap3A_216, %swap3A_217] {strides = array<i32>} : memref<200x64xf32, #tpu.memory_space<vmem>>, vector<16xf32>,
        tpu.vector_store %arg6[%swap3A_216, %swap3A_217], %mul3A_213 {strides = array<i32>} : memref<200x64xf32, #tpu.memory_space<vmem>>, vector<16xf32>,
        %add3A_219 = arith.constant 0 : i32
        %add3A_220 = arith.addi %mul3A_194, %add3A_219 : i32
        %get3A_221 = arith.index_cast %add3A_220 : i32 to index
        %get3A_222 = arith.constant 32 : index
        %get3A_223 = tpu.vector_load %arg6[%get3A_221, %get3A_222] {strides = array<i32>} : memref<200x64xf32, #tpu.memory_space<vmem>>, vector<16xf32>,
        %mul3A_224 = arith.constant 8.000000e+00 : f32
        %mul3A_225 = vector.broadcast %mul3A_224 : f32 to vector<16xf32>
        %mul3A_226 = arith.mulf %get3A_223, %mul3A_225 : vector<16xf32>
        %add3A_227 = arith.constant 0 : i32
        %add3A_228 = arith.addi %mul3A_194, %add3A_227 : i32
        %swap3A_229 = arith.index_cast %add3A_228 : i32 to index
        %swap3A_230 = arith.constant 32 : index
        %swap3A_231 = tpu.vector_load %arg6[%swap3A_229, %swap3A_230] {strides = array<i32>} : memref<200x64xf32, #tpu.memory_space<vmem>>, vector<16xf32>,
        tpu.vector_store %arg6[%swap3A_229, %swap3A_230], %mul3A_226 {strides = array<i32>} : memref<200x64xf32, #tpu.memory_space<vmem>>, vector<16xf32>,
        %add3A_232 = arith.constant 0 : i32
        %add3A_233 = arith.addi %mul3A_194, %add3A_232 : i32
        %get3A_234 = arith.index_cast %add3A_233 : i32 to index
        %get3A_235 = arith.constant 48 : index
        %get3A_236 = tpu.vector_load %arg6[%get3A_234, %get3A_235] {strides = array<i32>} : memref<200x64xf32, #tpu.memory_space<vmem>>, vector<16xf32>,
        %mul3A_237 = arith.constant 8.000000e+00 : f32
        %mul3A_238 = vector.broadcast %mul3A_237 : f32 to vector<16xf32>
        %mul3A_239 = arith.mulf %get3A_236, %mul3A_238 : vector<16xf32>
        %add3A_240 = arith.constant 0 : i32
        %add3A_241 = arith.addi %mul3A_194, %add3A_240 : i32
        %swap3A_242 = arith.index_cast %add3A_241 : i32 to index
        %swap3A_243 = arith.constant 48 : index
        %swap3A_244 = tpu.vector_load %arg6[%swap3A_242, %swap3A_243] {strides = array<i32>} : memref<200x64xf32, #tpu.memory_space<vmem>>, vector<16xf32>,
        tpu.vector_store %arg6[%swap3A_242, %swap3A_243], %mul3A_239 {strides = array<i32>} : memref<200x64xf32, #tpu.memory_space<vmem>>, vector<16xf32>,
        %add3A_245 = arith.constant 1 : i32
        %add3A_246 = arith.addi %mul3A_194, %add3A_245 : i32
        %get3A_247 = arith.index_cast %add3A_246 : i32 to index
        %get3A_248 = arith.constant 0 : index
        %get3A_249 = tpu.vector_load %arg6[%get3A_247, %get3A_248] {strides = array<i32>} : memref<200x64xf32, #tpu.memory_space<vmem>>, vector<16xf32>,
        %mul3A_250 = arith.constant 8.000000e+00 : f32
        %mul3A_251 = vector.broadcast %mul3A_250 : f32 to vector<16xf32>
        %mul3A_252 = arith.mulf %get3A_249, %mul3A_251 : vector<16xf32>
        %add3A_253 = arith.constant 1 : i32
        %add3A_254 = arith.addi %mul3A_194, %add3A_253 : i32
        %swap3A_255 = arith.index_cast %add3A_254 : i32 to index
        %swap3A_256 = arith.constant 0 : index
        %swap3A_257 = tpu.vector_load %arg6[%swap3A_255, %swap3A_256] {strides = array<i32>} : memref<200x64xf32, #tpu.memory_space<vmem>>, vector<16xf32>,
        tpu.vector_store %arg6[%swap3A_255, %swap3A_256], %mul3A_252 {strides = array<i32>} : memref<200x64xf32, #tpu.memory_space<vmem>>, vector<16xf32>,
        %add3A_258 = arith.constant 1 : i32
        %add3A_259 = arith.addi %mul3A_194, %add3A_258 : i32
        %get3A_260 = arith.index_cast %add3A_259 : i32 to index
        %get3A_261 = arith.constant 16 : index
        %get3A_262 = tpu.vector_load %arg6[%get3A_260, %get3A_261] {strides = array<i32>} : memref<200x64xf32, #tpu.memory_space<vmem>>, vector<16xf32>,
        %mul3A_263 = arith.constant 8.000000e+00 : f32
        %mul3A_264 = vector.broadcast %mul3A_263 : f32 to vector<16xf32>
        %mul3A_265 = arith.mulf %get3A_262, %mul3A_264 : vector<16xf32>
        %add3A_266 = arith.constant 1 : i32
        %add3A_267 = arith.addi %mul3A_194, %add3A_266 : i32
        %swap3A_268 = arith.index_cast %add3A_267 : i32 to index
        %swap3A_269 = arith.constant 16 : index
        %swap3A_270 = tpu.vector_load %arg6[%swap3A_268, %swap3A_269] {strides = array<i32>} : memref<200x64xf32, #tpu.memory_space<vmem>>, vector<16xf32>,
        tpu.vector_store %arg6[%swap3A_268, %swap3A_269], %mul3A_265 {strides = array<i32>} : memref<200x64xf32, #tpu.memory_space<vmem>>, vector<16xf32>,
        %add3A_271 = arith.constant 1 : i32
        %add3A_272 = arith.addi %mul3A_194, %add3A_271 : i32
        %get3A_273 = arith.index_cast %add3A_272 : i32 to index
        %get3A_274 = arith.constant 32 : index
        %get3A_275 = tpu.vector_load %arg6[%get3A_273, %get3A_274] {strides = array<i32>} : memref<200x64xf32, #tpu.memory_space<vmem>>, vector<16xf32>,
        %mul3A_276 = arith.constant 8.000000e+00 : f32
        %mul3A_277 = vector.broadcast %mul3A_276 : f32 to vector<16xf32>
        %mul3A_278 = arith.mulf %get3A_275, %mul3A_277 : vector<16xf32>
        %add3A_279 = arith.constant 1 : i32
        %add3A_280 = arith.addi %mul3A_194, %add3A_279 : i32
        %swap3A_281 = arith.index_cast %add3A_280 : i32 to index
        %swap3A_282 = arith.constant 32 : index
        %swap3A_283 = tpu.vector_load %arg6[%swap3A_281, %swap3A_282] {strides = array<i32>} : memref<200x64xf32, #tpu.memory_space<vmem>>, vector<16xf32>,
        tpu.vector_store %arg6[%swap3A_281, %swap3A_282], %mul3A_278 {strides = array<i32>} : memref<200x64xf32, #tpu.memory_space<vmem>>, vector<16xf32>,
        %add3A_284 = arith.constant 1 : i32
        %add3A_285 = arith.addi %mul3A_194, %add3A_284 : i32
        %get3A_286 = arith.index_cast %add3A_285 : i32 to index
        %get3A_287 = arith.constant 48 : index
        %get3A_288 = tpu.vector_load %arg6[%get3A_286, %get3A_287] {strides = array<i32>} : memref<200x64xf32, #tpu.memory_space<vmem>>, vector<16xf32>,
        %mul3A_289 = arith.constant 8.000000e+00 : f32
        %mul3A_290 = vector.broadcast %mul3A_289 : f32 to vector<16xf32>
        %mul3A_291 = arith.mulf %get3A_288, %mul3A_290 : vector<16xf32>
        %add3A_292 = arith.constant 1 : i32
        %add3A_293 = arith.addi %mul3A_194, %add3A_292 : i32
        %swap3A_294 = arith.index_cast %add3A_293 : i32 to index
        %swap3A_295 = arith.constant 48 : index
        %swap3A_296 = tpu.vector_load %arg6[%swap3A_294, %swap3A_295] {strides = array<i32>} : memref<200x64xf32, #tpu.memory_space<vmem>>, vector<16xf32>,
        tpu.vector_store %arg6[%swap3A_294, %swap3A_295], %mul3A_291 {strides = array<i32>} : memref<200x64xf32, #tpu.memory_space<vmem>>, vector<16xf32>,
        %add3A_297 = arith.constant 2 : i32
        %add3A_298 = arith.addi %mul3A_194, %add3A_297 : i32
        %get3A_299 = arith.index_cast %add3A_298 : i32 to index
        %get3A_300 = arith.constant 0 : index
        %get3A_301 = tpu.vector_load %arg6[%get3A_299, %get3A_300] {strides = array<i32>} : memref<200x64xf32, #tpu.memory_space<vmem>>, vector<16xf32>,
        %mul3A_302 = arith.constant 8.000000e+00 : f32
        %mul3A_303 = vector.broadcast %mul3A_302 : f32 to vector<16xf32>
        %mul3A_304 = arith.mulf %get3A_301, %mul3A_303 : vector<16xf32>
        %add3A_305 = arith.constant 2 : i32
        %add3A_306 = arith.addi %mul3A_194, %add3A_305 : i32
        %swap3A_307 = arith.index_cast %add3A_306 : i32 to index
        %swap3A_308 = arith.constant 0 : index
        %swap3A_309 = tpu.vector_load %arg6[%swap3A_307, %swap3A_308] {strides = array<i32>} : memref<200x64xf32, #tpu.memory_space<vmem>>, vector<16xf32>,
        tpu.vector_store %arg6[%swap3A_307, %swap3A_308], %mul3A_304 {strides = array<i32>} : memref<200x64xf32, #tpu.memory_space<vmem>>, vector<16xf32>,
        %add3A_310 = arith.constant 2 : i32
        %add3A_311 = arith.addi %mul3A_194, %add3A_310 : i32
        %get3A_312 = arith.index_cast %add3A_311 : i32 to index
        %get3A_313 = arith.constant 16 : index
        %get3A_314 = tpu.vector_load %arg6[%get3A_312, %get3A_313] {strides = array<i32>} : memref<200x64xf32, #tpu.memory_space<vmem>>, vector<16xf32>,
        %mul3A_315 = arith.constant 8.000000e+00 : f32
        %mul3A_316 = vector.broadcast %mul3A_315 : f32 to vector<16xf32>
        %mul3A_317 = arith.mulf %get3A_314, %mul3A_316 : vector<16xf32>
        %add3A_318 = arith.constant 2 : i32
        %add3A_319 = arith.addi %mul3A_194, %add3A_318 : i32
        %swap3A_320 = arith.index_cast %add3A_319 : i32 to index
        %swap3A_321 = arith.constant 16 : index
        %swap3A_322 = tpu.vector_load %arg6[%swap3A_320, %swap3A_321] {strides = array<i32>} : memref<200x64xf32, #tpu.memory_space<vmem>>, vector<16xf32>,
        tpu.vector_store %arg6[%swap3A_320, %swap3A_321], %mul3A_317 {strides = array<i32>} : memref<200x64xf32, #tpu.memory_space<vmem>>, vector<16xf32>,
        %add3A_323 = arith.constant 2 : i32
        %add3A_324 = arith.addi %mul3A_194, %add3A_323 : i32
        %get3A_325 = arith.index_cast %add3A_324 : i32 to index
        %get3A_326 = arith.constant 32 : index
        %get3A_327 = tpu.vector_load %arg6[%get3A_325, %get3A_326] {strides = array<i32>} : memref<200x64xf32, #tpu.memory_space<vmem>>, vector<16xf32>,
        %mul3A_328 = arith.constant 8.000000e+00 : f32
        %mul3A_329 = vector.broadcast %mul3A_328 : f32 to vector<16xf32>
        %mul3A_330 = arith.mulf %get3A_327, %mul3A_329 : vector<16xf32>
        %add3A_331 = arith.constant 2 : i32
        %add3A_332 = arith.addi %mul3A_194, %add3A_331 : i32
        %swap3A_333 = arith.index_cast %add3A_332 : i32 to index
        %swap3A_334 = arith.constant 32 : index
        %swap3A_335 = tpu.vector_load %arg6[%swap3A_333, %swap3A_334] {strides = array<i32>} : memref<200x64xf32, #tpu.memory_space<vmem>>, vector<16xf32>,
        tpu.vector_store %arg6[%swap3A_333, %swap3A_334], %mul3A_330 {strides = array<i32>} : memref<200x64xf32, #tpu.memory_space<vmem>>, vector<16xf32>,
        %add3A_336 = arith.constant 2 : i32
        %add3A_337 = arith.addi %mul3A_194, %add3A_336 : i32
        %get3A_338 = arith.index_cast %add3A_337 : i32 to index
        %get3A_339 = arith.constant 48 : index
        %get3A_340 = tpu.vector_load %arg6[%get3A_338, %get3A_339] {strides = array<i32>} : memref<200x64xf32, #tpu.memory_space<vmem>>, vector<16xf32>,
        %mul3A_341 = arith.constant 8.000000e+00 : f32
        %mul3A_342 = vector.broadcast %mul3A_341 : f32 to vector<16xf32>
        %mul3A_343 = arith.mulf %get3A_340, %mul3A_342 : vector<16xf32>
        %add3A_344 = arith.constant 2 : i32
        %add3A_345 = arith.addi %mul3A_194, %add3A_344 : i32
        %swap3A_346 = arith.index_cast %add3A_345 : i32 to index
        %swap3A_347 = arith.constant 48 : index
        %swap3A_348 = tpu.vector_load %arg6[%swap3A_346, %swap3A_347] {strides = array<i32>} : memref<200x64xf32, #tpu.memory_space<vmem>>, vector<16xf32>,
        tpu.vector_store %arg6[%swap3A_346, %swap3A_347], %mul3A_343 {strides = array<i32>} : memref<200x64xf32, #tpu.memory_space<vmem>>, vector<16xf32>,
        %add3A_349 = arith.constant 3 : i32
        %add3A_350 = arith.addi %mul3A_194, %add3A_349 : i32
        %get3A_351 = arith.index_cast %add3A_350 : i32 to index
        %get3A_352 = arith.constant 0 : index
        %get3A_353 = tpu.vector_load %arg6[%get3A_351, %get3A_352] {strides = array<i32>} : memref<200x64xf32, #tpu.memory_space<vmem>>, vector<16xf32>,
        %mul3A_354 = arith.constant 8.000000e+00 : f32
        %mul3A_355 = vector.broadcast %mul3A_354 : f32 to vector<16xf32>
        %mul3A_356 = arith.mulf %get3A_353, %mul3A_355 : vector<16xf32>
        %add3A_357 = arith.constant 3 : i32
        %add3A_358 = arith.addi %mul3A_194, %add3A_357 : i32
        %swap3A_359 = arith.index_cast %add3A_358 : i32 to index
        %swap3A_360 = arith.constant 0 : index
        %swap3A_361 = tpu.vector_load %arg6[%swap3A_359, %swap3A_360] {strides = array<i32>} : memref<200x64xf32, #tpu.memory_space<vmem>>, vector<16xf32>,
        tpu.vector_store %arg6[%swap3A_359, %swap3A_360], %mul3A_356 {strides = array<i32>} : memref<200x64xf32, #tpu.memory_space<vmem>>, vector<16xf32>,
        %add3A_362 = arith.constant 3 : i32
        %add3A_363 = arith.addi %mul3A_194, %add3A_362 : i32
        %get3A_364 = arith.index_cast %add3A_363 : i32 to index
        %get3A_365 = arith.constant 16 : index
        %get3A_366 = tpu.vector_load %arg6[%get3A_364, %get3A_365] {strides = array<i32>} : memref<200x64xf32, #tpu.memory_space<vmem>>, vector<16xf32>,
        %mul3A_367 = arith.constant 8.000000e+00 : f32
        %mul3A_368 = vector.broadcast %mul3A_367 : f32 to vector<16xf32>
        %mul3A_369 = arith.mulf %get3A_366, %mul3A_368 : vector<16xf32>
        %add3A_370 = arith.constant 3 : i32
        %add3A_371 = arith.addi %mul3A_194, %add3A_370 : i32
        %swap3A_372 = arith.index_cast %add3A_371 : i32 to index
        %swap3A_373 = arith.constant 16 : index
        %swap3A_374 = tpu.vector_load %arg6[%swap3A_372, %swap3A_373] {strides = array<i32>} : memref<200x64xf32, #tpu.memory_space<vmem>>, vector<16xf32>,
        tpu.vector_store %arg6[%swap3A_372, %swap3A_373], %mul3A_369 {strides = array<i32>} : memref<200x64xf32, #tpu.memory_space<vmem>>, vector<16xf32>,
        %add3A_375 = arith.constant 3 : i32
        %add3A_376 = arith.addi %mul3A_194, %add3A_375 : i32
        %get3A_377 = arith.index_cast %add3A_376 : i32 to index
        %get3A_378 = arith.constant 32 : index
        %get3A_379 = tpu.vector_load %arg6[%get3A_377, %get3A_378] {strides = array<i32>} : memref<200x64xf32, #tpu.memory_space<vmem>>, vector<16xf32>,
        %mul3A_380 = arith.constant 8.000000e+00 : f32
        %mul3A_381 = vector.broadcast %mul3A_380 : f32 to vector<16xf32>
        %mul3A_382 = arith.mulf %get3A_379, %mul3A_381 : vector<16xf32>
        %add3A_383 = arith.constant 3 : i32
        %add3A_384 = arith.addi %mul3A_194, %add3A_383 : i32
        %swap3A_385 = arith.index_cast %add3A_384 : i32 to index
        %swap3A_386 = arith.constant 32 : index
        %swap3A_387 = tpu.vector_load %arg6[%swap3A_385, %swap3A_386] {strides = array<i32>} : memref<200x64xf32, #tpu.memory_space<vmem>>, vector<16xf32>,
        tpu.vector_store %arg6[%swap3A_385, %swap3A_386], %mul3A_382 {strides = array<i32>} : memref<200x64xf32, #tpu.memory_space<vmem>>, vector<16xf32>,
        %add3A_388 = arith.constant 3 : i32
        %add3A_389 = arith.addi %mul3A_194, %add3A_388 : i32
        %get3A_390 = arith.index_cast %add3A_389 : i32 to index
        %get3A_391 = arith.constant 48 : index
        %get3A_392 = tpu.vector_load %arg6[%get3A_390, %get3A_391] {strides = array<i32>} : memref<200x64xf32, #tpu.memory_space<vmem>>, vector<16xf32>,
        %mul3A_393 = arith.constant 8.000000e+00 : f32
        %mul3A_394 = vector.broadcast %mul3A_393 : f32 to vector<16xf32>
        %mul3A_395 = arith.mulf %get3A_392, %mul3A_394 : vector<16xf32>
        %add3A_396 = arith.constant 3 : i32
        %add3A_397 = arith.addi %mul3A_194, %add3A_396 : i32
        %swap3A_398 = arith.index_cast %add3A_397 : i32 to index
        %swap3A_399 = arith.constant 48 : index
        %swap3A_400 = tpu.vector_load %arg6[%swap3A_398, %swap3A_399] {strides = array<i32>} : memref<200x64xf32, #tpu.memory_space<vmem>>, vector<16xf32>,
        tpu.vector_store %arg6[%swap3A_398, %swap3A_399], %mul3A_395 {strides = array<i32>} : memref<200x64xf32, #tpu.memory_space<vmem>>, vector<16xf32>,
      }
      %scan3A_83 = arith.constant 50 : i32
      %add3A_84 = arith.addi %mul3A_2, %add3A_67 : i32
      %dma_start3A_85 = arith.constant 0 : i32
      %dma_start3A_86 = arith.constant 0 : i32
      %dma_start3A_87 = tpu.memref_slice %arg4[%add3A_84, %dma_start3A_85, %dma_start3A_86] : memref<4096x200x128xf32, #tpu.memory_space<hbm>> -> memref<1x200x64xf32, #tpu.memory_space<hbm>>
      %dma_start3A_88 = tpu.memref_squeeze %dma_start3A_87 : memref<1x200x64xf32, #tpu.memory_space<hbm>> -> memref<200x64xf32, #tpu.memory_space<hbm>>
      %dma_start3A_89 = arith.constant 0 : i32
      %dma_start3A_90 = arith.constant 0 : i32
      %dma_start3A_91 = tpu.memref_slice %arg4[%add3A_84, %dma_start3A_89, %dma_start3A_90] : memref<4096x200x128xf32, #tpu.memory_space<hbm>> -> memref<1x200x64xf32, #tpu.memory_space<hbm>>
      %dma_start3A_92 = tpu.memref_squeeze %dma_start3A_91 : memref<1x200x64xf32, #tpu.memory_space<hbm>> -> memref<200x64xf32, #tpu.memory_space<hbm>>
      tpu.enqueue_dma source(%arg6 : memref<200x64xf32, #tpu.memory_space<vmem>>) target(%dma_start3A_92 : memref<200x64xf32, #tpu.memory_space<hbm>>) target_semaphore(%arg14 : memref<!tpu.dma_semaphore, #tpu.memory_space<semaphore_mem>>)
      %mul3A_93 = arith.constant 4 : i32
      %mul3A_94 = arith.muli %scan3A_63, %mul3A_93 : i32
      %add3A_95 = arith.constant 1 : i32
      %add3A_96 = arith.addi %mul3A_94, %add3A_95 : i32
      %add3A_97 = arith.constant 4 : i32
      %add3A_98 = arith.addi %add3A_96, %add3A_97 : i32
      %sub3A_99 = arith.constant 1 : i32
      %sub3A_100 = arith.subi %add3A_98, %sub3A_99 : i32
      %lt3A_101 = arith.constant 128 : i32
      %lt3A_102 = arith.cmpi slt, %sub3A_100, %lt3A_101 : i32
      %convert_element_type3A_103 = arith.extui %lt3A_102 : i1 to i32
      %cond3A_104 = arith.constant 0 : i32
      %cond3A_105 = arith.cmpi ne, %convert_element_type3A_103, %cond3A_104 : i32
      scf.if %cond3A_105 {
        %ge3A = arith.constant 4 : i32
        %ge3A_192 = arith.cmpi sge, %sub3A_100, %ge3A : i32
        %convert_element_type3A_193 = arith.extui %ge3A_192 : i1 to i32
        %cond3A_194 = arith.constant 0 : i32
        %cond3A_195 = arith.cmpi ne, %convert_element_type3A_193, %cond3A_194 : i32
        scf.if %cond3A_195 {
          %add3A_202 = arith.constant 0 : i32
          %add3A_203 = arith.addi %mul3A_2, %add3A_202 : i32
          %dma_wait3A_204 = arith.constant 0 : i32
          %dma_wait3A_205 = arith.constant 0 : i32
          %dma_wait3A_206 = tpu.memref_slice %arg4[%add3A_203, %dma_wait3A_204, %dma_wait3A_205] : memref<4096x200x128xf32, #tpu.memory_space<hbm>> -> memref<1x200x64xf32, #tpu.memory_space<hbm>>
          %dma_wait3A_207 = tpu.memref_squeeze %dma_wait3A_206 : memref<1x200x64xf32, #tpu.memory_space<hbm>> -> memref<200x64xf32, #tpu.memory_space<hbm>>
          %dma_wait3A_208 = arith.constant 0 : i32
          %dma_wait3A_209 = arith.constant 0 : i32
          %dma_wait3A_210 = tpu.memref_slice %arg4[%add3A_203, %dma_wait3A_208, %dma_wait3A_209] : memref<4096x200x128xf32, #tpu.memory_space<hbm>> -> memref<1x200x64xf32, #tpu.memory_space<hbm>>
          %dma_wait3A_211 = tpu.memref_squeeze %dma_wait3A_210 : memref<1x200x64xf32, #tpu.memory_space<hbm>> -> memref<200x64xf32, #tpu.memory_space<hbm>>
          tpu.wait_dma2 semaphore(%arg14 : memref<!tpu.dma_semaphore, #tpu.memory_space<semaphore_mem>>) src(%arg6 : memref<200x64xf32, #tpu.memory_space<vmem>>) dst(%dma_wait3A_211 : memref<200x64xf32, #tpu.memory_space<hbm>>)
        } else {
        }
        %mul3A_196 = arith.constant 200 : i32
        %mul3A_197 = arith.muli %sub3A_100, %mul3A_196 : i32
        %dma_start3A_198 = tpu.memref_slice %arg5[%mul3A_197] : memref<25600xi32, #tpu.memory_space<vmem>> -> memref<200xi32, #tpu.memory_space<vmem>>
        %dma_start3A_199 = arith.constant 0 : i32
        %dma_start3A_200 = arith.constant 0 : i32
        %dma_start3A_201 = tpu.memref_slice %arg3[%dma_start3A_199, %dma_start3A_200] : memref<1000000x64xf32, #tpu.memory_space<hbm>> -> memref<1000000x64xf32, #tpu.memory_space<hbm>>
        tpu.enqueue_indirect_dma source(%dma_start3A_201 : memref<1000000x64xf32, #tpu.memory_space<hbm>>) target(%arg6 : memref<200x64xf32, #tpu.memory_space<vmem>>) offsets(%dma_start3A_198 : memref<200xi32, #tpu.memory_space<vmem>>) semaphore(%arg10 : memref<!tpu.dma_semaphore, #tpu.memory_space<semaphore_mem>>)
      } else {
      }
      %dma_wait3A_106 = arith.constant 0 : i32
      %dma_wait3A_107 = tpu.memref_slice %arg5[%dma_wait3A_106] : memref<25600xi32, #tpu.memory_space<vmem>> -> memref<200xi32, #tpu.memory_space<vmem>>
      %dma_wait3A_108 = arith.constant 0 : i32
      %dma_wait3A_109 = arith.constant 0 : i32
      %dma_wait3A_110 = tpu.memref_slice %arg3[%dma_wait3A_108, %dma_wait3A_109] : memref<1000000x64xf32, #tpu.memory_space<hbm>> -> memref<1000000x64xf32, #tpu.memory_space<hbm>>
      tpu.wait_indirect_dma semaphore(%arg11 : memref<!tpu.dma_semaphore, #tpu.memory_space<semaphore_mem>>) src(%dma_wait3A_110 : memref<1000000x64xf32, #tpu.memory_space<hbm>>) dst(%arg7 : memref<200x64xf32, #tpu.memory_space<vmem>>)
      %scan3A_111 = arith.constant 0 : i32
      %scan3A_112 = arith.constant 0 : i32
      %scan3A_113 = arith.constant 50 : i32
      %scan3A_114 = arith.addi %scan3A_112, %scan3A_113 : i32
      %scan3A_115 = arith.constant 1 : i32
      scf.for %scan3A_192 = %scan3A_112 to %scan3A_114 step %scan3A_115  : i32 {
        %mul3A_193 = arith.constant 4 : i32
        %mul3A_194 = arith.muli %scan3A_192, %mul3A_193 : i32
        %add3A_195 = arith.constant 0 : i32
        %add3A_196 = arith.addi %mul3A_194, %add3A_195 : i32
        %get3A = arith.index_cast %add3A_196 : i32 to index
        %get3A_197 = arith.constant 0 : index
        %get3A_198 = tpu.vector_load %arg7[%get3A, %get3A_197] {strides = array<i32>} : memref<200x64xf32, #tpu.memory_space<vmem>>, vector<16xf32>,
        %mul3A_199 = arith.constant 8.000000e+00 : f32
        %mul3A_200 = vector.broadcast %mul3A_199 : f32 to vector<16xf32>
        %mul3A_201 = arith.mulf %get3A_198, %mul3A_200 : vector<16xf32>
        %add3A_202 = arith.constant 0 : i32
        %add3A_203 = arith.addi %mul3A_194, %add3A_202 : i32
        %swap3A = arith.index_cast %add3A_203 : i32 to index
        %swap3A_204 = arith.constant 0 : index
        %swap3A_205 = tpu.vector_load %arg7[%swap3A, %swap3A_204] {strides = array<i32>} : memref<200x64xf32, #tpu.memory_space<vmem>>, vector<16xf32>,
        tpu.vector_store %arg7[%swap3A, %swap3A_204], %mul3A_201 {strides = array<i32>} : memref<200x64xf32, #tpu.memory_space<vmem>>, vector<16xf32>,
        %add3A_206 = arith.constant 0 : i32
        %add3A_207 = arith.addi %mul3A_194, %add3A_206 : i32
        %get3A_208 = arith.index_cast %add3A_207 : i32 to index
        %get3A_209 = arith.constant 16 : index
        %get3A_210 = tpu.vector_load %arg7[%get3A_208, %get3A_209] {strides = array<i32>} : memref<200x64xf32, #tpu.memory_space<vmem>>, vector<16xf32>,
        %mul3A_211 = arith.constant 8.000000e+00 : f32
        %mul3A_212 = vector.broadcast %mul3A_211 : f32 to vector<16xf32>
        %mul3A_213 = arith.mulf %get3A_210, %mul3A_212 : vector<16xf32>
        %add3A_214 = arith.constant 0 : i32
        %add3A_215 = arith.addi %mul3A_194, %add3A_214 : i32
        %swap3A_216 = arith.index_cast %add3A_215 : i32 to index
        %swap3A_217 = arith.constant 16 : index
        %swap3A_218 = tpu.vector_load %arg7[%swap3A_216, %swap3A_217] {strides = array<i32>} : memref<200x64xf32, #tpu.memory_space<vmem>>, vector<16xf32>,
        tpu.vector_store %arg7[%swap3A_216, %swap3A_217], %mul3A_213 {strides = array<i32>} : memref<200x64xf32, #tpu.memory_space<vmem>>, vector<16xf32>,
        %add3A_219 = arith.constant 0 : i32
        %add3A_220 = arith.addi %mul3A_194, %add3A_219 : i32
        %get3A_221 = arith.index_cast %add3A_220 : i32 to index
        %get3A_222 = arith.constant 32 : index
        %get3A_223 = tpu.vector_load %arg7[%get3A_221, %get3A_222] {strides = array<i32>} : memref<200x64xf32, #tpu.memory_space<vmem>>, vector<16xf32>,
        %mul3A_224 = arith.constant 8.000000e+00 : f32
        %mul3A_225 = vector.broadcast %mul3A_224 : f32 to vector<16xf32>
        %mul3A_226 = arith.mulf %get3A_223, %mul3A_225 : vector<16xf32>
        %add3A_227 = arith.constant 0 : i32
        %add3A_228 = arith.addi %mul3A_194, %add3A_227 : i32
        %swap3A_229 = arith.index_cast %add3A_228 : i32 to index
        %swap3A_230 = arith.constant 32 : index
        %swap3A_231 = tpu.vector_load %arg7[%swap3A_229, %swap3A_230] {strides = array<i32>} : memref<200x64xf32, #tpu.memory_space<vmem>>, vector<16xf32>,
        tpu.vector_store %arg7[%swap3A_229, %swap3A_230], %mul3A_226 {strides = array<i32>} : memref<200x64xf32, #tpu.memory_space<vmem>>, vector<16xf32>,
        %add3A_232 = arith.constant 0 : i32
        %add3A_233 = arith.addi %mul3A_194, %add3A_232 : i32
        %get3A_234 = arith.index_cast %add3A_233 : i32 to index
        %get3A_235 = arith.constant 48 : index
        %get3A_236 = tpu.vector_load %arg7[%get3A_234, %get3A_235] {strides = array<i32>} : memref<200x64xf32, #tpu.memory_space<vmem>>, vector<16xf32>,
        %mul3A_237 = arith.constant 8.000000e+00 : f32
        %mul3A_238 = vector.broadcast %mul3A_237 : f32 to vector<16xf32>
        %mul3A_239 = arith.mulf %get3A_236, %mul3A_238 : vector<16xf32>
        %add3A_240 = arith.constant 0 : i32
        %add3A_241 = arith.addi %mul3A_194, %add3A_240 : i32
        %swap3A_242 = arith.index_cast %add3A_241 : i32 to index
        %swap3A_243 = arith.constant 48 : index
        %swap3A_244 = tpu.vector_load %arg7[%swap3A_242, %swap3A_243] {strides = array<i32>} : memref<200x64xf32, #tpu.memory_space<vmem>>, vector<16xf32>,
        tpu.vector_store %arg7[%swap3A_242, %swap3A_243], %mul3A_239 {strides = array<i32>} : memref<200x64xf32, #tpu.memory_space<vmem>>, vector<16xf32>,
        %add3A_245 = arith.constant 1 : i32
        %add3A_246 = arith.addi %mul3A_194, %add3A_245 : i32
        %get3A_247 = arith.index_cast %add3A_246 : i32 to index
        %get3A_248 = arith.constant 0 : index
        %get3A_249 = tpu.vector_load %arg7[%get3A_247, %get3A_248] {strides = array<i32>} : memref<200x64xf32, #tpu.memory_space<vmem>>, vector<16xf32>,
        %mul3A_250 = arith.constant 8.000000e+00 : f32
        %mul3A_251 = vector.broadcast %mul3A_250 : f32 to vector<16xf32>
        %mul3A_252 = arith.mulf %get3A_249, %mul3A_251 : vector<16xf32>
        %add3A_253 = arith.constant 1 : i32
        %add3A_254 = arith.addi %mul3A_194, %add3A_253 : i32
        %swap3A_255 = arith.index_cast %add3A_254 : i32 to index
        %swap3A_256 = arith.constant 0 : index
        %swap3A_257 = tpu.vector_load %arg7[%swap3A_255, %swap3A_256] {strides = array<i32>} : memref<200x64xf32, #tpu.memory_space<vmem>>, vector<16xf32>,
        tpu.vector_store %arg7[%swap3A_255, %swap3A_256], %mul3A_252 {strides = array<i32>} : memref<200x64xf32, #tpu.memory_space<vmem>>, vector<16xf32>,
        %add3A_258 = arith.constant 1 : i32
        %add3A_259 = arith.addi %mul3A_194, %add3A_258 : i32
        %get3A_260 = arith.index_cast %add3A_259 : i32 to index
        %get3A_261 = arith.constant 16 : index
        %get3A_262 = tpu.vector_load %arg7[%get3A_260, %get3A_261] {strides = array<i32>} : memref<200x64xf32, #tpu.memory_space<vmem>>, vector<16xf32>,
        %mul3A_263 = arith.constant 8.000000e+00 : f32
        %mul3A_264 = vector.broadcast %mul3A_263 : f32 to vector<16xf32>
        %mul3A_265 = arith.mulf %get3A_262, %mul3A_264 : vector<16xf32>
        %add3A_266 = arith.constant 1 : i32
        %add3A_267 = arith.addi %mul3A_194, %add3A_266 : i32
        %swap3A_268 = arith.index_cast %add3A_267 : i32 to index
        %swap3A_269 = arith.constant 16 : index
        %swap3A_270 = tpu.vector_load %arg7[%swap3A_268, %swap3A_269] {strides = array<i32>} : memref<200x64xf32, #tpu.memory_space<vmem>>, vector<16xf32>,
        tpu.vector_store %arg7[%swap3A_268, %swap3A_269], %mul3A_265 {strides = array<i32>} : memref<200x64xf32, #tpu.memory_space<vmem>>, vector<16xf32>,
        %add3A_271 = arith.constant 1 : i32
        %add3A_272 = arith.addi %mul3A_194, %add3A_271 : i32
        %get3A_273 = arith.index_cast %add3A_272 : i32 to index
        %get3A_274 = arith.constant 32 : index
        %get3A_275 = tpu.vector_load %arg7[%get3A_273, %get3A_274] {strides = array<i32>} : memref<200x64xf32, #tpu.memory_space<vmem>>, vector<16xf32>,
        %mul3A_276 = arith.constant 8.000000e+00 : f32
        %mul3A_277 = vector.broadcast %mul3A_276 : f32 to vector<16xf32>
        %mul3A_278 = arith.mulf %get3A_275, %mul3A_277 : vector<16xf32>
        %add3A_279 = arith.constant 1 : i32
        %add3A_280 = arith.addi %mul3A_194, %add3A_279 : i32
        %swap3A_281 = arith.index_cast %add3A_280 : i32 to index
        %swap3A_282 = arith.constant 32 : index
        %swap3A_283 = tpu.vector_load %arg7[%swap3A_281, %swap3A_282] {strides = array<i32>} : memref<200x64xf32, #tpu.memory_space<vmem>>, vector<16xf32>,
        tpu.vector_store %arg7[%swap3A_281, %swap3A_282], %mul3A_278 {strides = array<i32>} : memref<200x64xf32, #tpu.memory_space<vmem>>, vector<16xf32>,
        %add3A_284 = arith.constant 1 : i32
        %add3A_285 = arith.addi %mul3A_194, %add3A_284 : i32
        %get3A_286 = arith.index_cast %add3A_285 : i32 to index
        %get3A_287 = arith.constant 48 : index
        %get3A_288 = tpu.vector_load %arg7[%get3A_286, %get3A_287] {strides = array<i32>} : memref<200x64xf32, #tpu.memory_space<vmem>>, vector<16xf32>,
        %mul3A_289 = arith.constant 8.000000e+00 : f32
        %mul3A_290 = vector.broadcast %mul3A_289 : f32 to vector<16xf32>
        %mul3A_291 = arith.mulf %get3A_288, %mul3A_290 : vector<16xf32>
        %add3A_292 = arith.constant 1 : i32
        %add3A_293 = arith.addi %mul3A_194, %add3A_292 : i32
        %swap3A_294 = arith.index_cast %add3A_293 : i32 to index
        %swap3A_295 = arith.constant 48 : index
        %swap3A_296 = tpu.vector_load %arg7[%swap3A_294, %swap3A_295] {strides = array<i32>} : memref<200x64xf32, #tpu.memory_space<vmem>>, vector<16xf32>,
        tpu.vector_store %arg7[%swap3A_294, %swap3A_295], %mul3A_291 {strides = array<i32>} : memref<200x64xf32, #tpu.memory_space<vmem>>, vector<16xf32>,
        %add3A_297 = arith.constant 2 : i32
        %add3A_298 = arith.addi %mul3A_194, %add3A_297 : i32
        %get3A_299 = arith.index_cast %add3A_298 : i32 to index
        %get3A_300 = arith.constant 0 : index
        %get3A_301 = tpu.vector_load %arg7[%get3A_299, %get3A_300] {strides = array<i32>} : memref<200x64xf32, #tpu.memory_space<vmem>>, vector<16xf32>,
        %mul3A_302 = arith.constant 8.000000e+00 : f32
        %mul3A_303 = vector.broadcast %mul3A_302 : f32 to vector<16xf32>
        %mul3A_304 = arith.mulf %get3A_301, %mul3A_303 : vector<16xf32>
        %add3A_305 = arith.constant 2 : i32
        %add3A_306 = arith.addi %mul3A_194, %add3A_305 : i32
        %swap3A_307 = arith.index_cast %add3A_306 : i32 to index
        %swap3A_308 = arith.constant 0 : index
        %swap3A_309 = tpu.vector_load %arg7[%swap3A_307, %swap3A_308] {strides = array<i32>} : memref<200x64xf32, #tpu.memory_space<vmem>>, vector<16xf32>,
        tpu.vector_store %arg7[%swap3A_307, %swap3A_308], %mul3A_304 {strides = array<i32>} : memref<200x64xf32, #tpu.memory_space<vmem>>, vector<16xf32>,
        %add3A_310 = arith.constant 2 : i32
        %add3A_311 = arith.addi %mul3A_194, %add3A_310 : i32
        %get3A_312 = arith.index_cast %add3A_311 : i32 to index
        %get3A_313 = arith.constant 16 : index
        %get3A_314 = tpu.vector_load %arg7[%get3A_312, %get3A_313] {strides = array<i32>} : memref<200x64xf32, #tpu.memory_space<vmem>>, vector<16xf32>,
        %mul3A_315 = arith.constant 8.000000e+00 : f32
        %mul3A_316 = vector.broadcast %mul3A_315 : f32 to vector<16xf32>
        %mul3A_317 = arith.mulf %get3A_314, %mul3A_316 : vector<16xf32>
        %add3A_318 = arith.constant 2 : i32
        %add3A_319 = arith.addi %mul3A_194, %add3A_318 : i32
        %swap3A_320 = arith.index_cast %add3A_319 : i32 to index
        %swap3A_321 = arith.constant 16 : index
        %swap3A_322 = tpu.vector_load %arg7[%swap3A_320, %swap3A_321] {strides = array<i32>} : memref<200x64xf32, #tpu.memory_space<vmem>>, vector<16xf32>,
        tpu.vector_store %arg7[%swap3A_320, %swap3A_321], %mul3A_317 {strides = array<i32>} : memref<200x64xf32, #tpu.memory_space<vmem>>, vector<16xf32>,
        %add3A_323 = arith.constant 2 : i32
        %add3A_324 = arith.addi %mul3A_194, %add3A_323 : i32
        %get3A_325 = arith.index_cast %add3A_324 : i32 to index
        %get3A_326 = arith.constant 32 : index
        %get3A_327 = tpu.vector_load %arg7[%get3A_325, %get3A_326] {strides = array<i32>} : memref<200x64xf32, #tpu.memory_space<vmem>>, vector<16xf32>,
        %mul3A_328 = arith.constant 8.000000e+00 : f32
        %mul3A_329 = vector.broadcast %mul3A_328 : f32 to vector<16xf32>
        %mul3A_330 = arith.mulf %get3A_327, %mul3A_329 : vector<16xf32>
        %add3A_331 = arith.constant 2 : i32
        %add3A_332 = arith.addi %mul3A_194, %add3A_331 : i32
        %swap3A_333 = arith.index_cast %add3A_332 : i32 to index
        %swap3A_334 = arith.constant 32 : index
        %swap3A_335 = tpu.vector_load %arg7[%swap3A_333, %swap3A_334] {strides = array<i32>} : memref<200x64xf32, #tpu.memory_space<vmem>>, vector<16xf32>,
        tpu.vector_store %arg7[%swap3A_333, %swap3A_334], %mul3A_330 {strides = array<i32>} : memref<200x64xf32, #tpu.memory_space<vmem>>, vector<16xf32>,
        %add3A_336 = arith.constant 2 : i32
        %add3A_337 = arith.addi %mul3A_194, %add3A_336 : i32
        %get3A_338 = arith.index_cast %add3A_337 : i32 to index
        %get3A_339 = arith.constant 48 : index
        %get3A_340 = tpu.vector_load %arg7[%get3A_338, %get3A_339] {strides = array<i32>} : memref<200x64xf32, #tpu.memory_space<vmem>>, vector<16xf32>,
        %mul3A_341 = arith.constant 8.000000e+00 : f32
        %mul3A_342 = vector.broadcast %mul3A_341 : f32 to vector<16xf32>
        %mul3A_343 = arith.mulf %get3A_340, %mul3A_342 : vector<16xf32>
        %add3A_344 = arith.constant 2 : i32
        %add3A_345 = arith.addi %mul3A_194, %add3A_344 : i32
        %swap3A_346 = arith.index_cast %add3A_345 : i32 to index
        %swap3A_347 = arith.constant 48 : index
        %swap3A_348 = tpu.vector_load %arg7[%swap3A_346, %swap3A_347] {strides = array<i32>} : memref<200x64xf32, #tpu.memory_space<vmem>>, vector<16xf32>,
        tpu.vector_store %arg7[%swap3A_346, %swap3A_347], %mul3A_343 {strides = array<i32>} : memref<200x64xf32, #tpu.memory_space<vmem>>, vector<16xf32>,
        %add3A_349 = arith.constant 3 : i32
        %add3A_350 = arith.addi %mul3A_194, %add3A_349 : i32
        %get3A_351 = arith.index_cast %add3A_350 : i32 to index
        %get3A_352 = arith.constant 0 : index
        %get3A_353 = tpu.vector_load %arg7[%get3A_351, %get3A_352] {strides = array<i32>} : memref<200x64xf32, #tpu.memory_space<vmem>>, vector<16xf32>,
        %mul3A_354 = arith.constant 8.000000e+00 : f32
        %mul3A_355 = vector.broadcast %mul3A_354 : f32 to vector<16xf32>
        %mul3A_356 = arith.mulf %get3A_353, %mul3A_355 : vector<16xf32>
        %add3A_357 = arith.constant 3 : i32
        %add3A_358 = arith.addi %mul3A_194, %add3A_357 : i32
        %swap3A_359 = arith.index_cast %add3A_358 : i32 to index
        %swap3A_360 = arith.constant 0 : index
        %swap3A_361 = tpu.vector_load %arg7[%swap3A_359, %swap3A_360] {strides = array<i32>} : memref<200x64xf32, #tpu.memory_space<vmem>>, vector<16xf32>,
        tpu.vector_store %arg7[%swap3A_359, %swap3A_360], %mul3A_356 {strides = array<i32>} : memref<200x64xf32, #tpu.memory_space<vmem>>, vector<16xf32>,
        %add3A_362 = arith.constant 3 : i32
        %add3A_363 = arith.addi %mul3A_194, %add3A_362 : i32
        %get3A_364 = arith.index_cast %add3A_363 : i32 to index
        %get3A_365 = arith.constant 16 : index
        %get3A_366 = tpu.vector_load %arg7[%get3A_364, %get3A_365] {strides = array<i32>} : memref<200x64xf32, #tpu.memory_space<vmem>>, vector<16xf32>,
        %mul3A_367 = arith.constant 8.000000e+00 : f32
        %mul3A_368 = vector.broadcast %mul3A_367 : f32 to vector<16xf32>
        %mul3A_369 = arith.mulf %get3A_366, %mul3A_368 : vector<16xf32>
        %add3A_370 = arith.constant 3 : i32
        %add3A_371 = arith.addi %mul3A_194, %add3A_370 : i32
        %swap3A_372 = arith.index_cast %add3A_371 : i32 to index
        %swap3A_373 = arith.constant 16 : index
        %swap3A_374 = tpu.vector_load %arg7[%swap3A_372, %swap3A_373] {strides = array<i32>} : memref<200x64xf32, #tpu.memory_space<vmem>>, vector<16xf32>,
        tpu.vector_store %arg7[%swap3A_372, %swap3A_373], %mul3A_369 {strides = array<i32>} : memref<200x64xf32, #tpu.memory_space<vmem>>, vector<16xf32>,
        %add3A_375 = arith.constant 3 : i32
        %add3A_376 = arith.addi %mul3A_194, %add3A_375 : i32
        %get3A_377 = arith.index_cast %add3A_376 : i32 to index
        %get3A_378 = arith.constant 32 : index
        %get3A_379 = tpu.vector_load %arg7[%get3A_377, %get3A_378] {strides = array<i32>} : memref<200x64xf32, #tpu.memory_space<vmem>>, vector<16xf32>,
        %mul3A_380 = arith.constant 8.000000e+00 : f32
        %mul3A_381 = vector.broadcast %mul3A_380 : f32 to vector<16xf32>
        %mul3A_382 = arith.mulf %get3A_379, %mul3A_381 : vector<16xf32>
        %add3A_383 = arith.constant 3 : i32
        %add3A_384 = arith.addi %mul3A_194, %add3A_383 : i32
        %swap3A_385 = arith.index_cast %add3A_384 : i32 to index
        %swap3A_386 = arith.constant 32 : index
        %swap3A_387 = tpu.vector_load %arg7[%swap3A_385, %swap3A_386] {strides = array<i32>} : memref<200x64xf32, #tpu.memory_space<vmem>>, vector<16xf32>,
        tpu.vector_store %arg7[%swap3A_385, %swap3A_386], %mul3A_382 {strides = array<i32>} : memref<200x64xf32, #tpu.memory_space<vmem>>, vector<16xf32>,
        %add3A_388 = arith.constant 3 : i32
        %add3A_389 = arith.addi %mul3A_194, %add3A_388 : i32
        %get3A_390 = arith.index_cast %add3A_389 : i32 to index
        %get3A_391 = arith.constant 48 : index
        %get3A_392 = tpu.vector_load %arg7[%get3A_390, %get3A_391] {strides = array<i32>} : memref<200x64xf32, #tpu.memory_space<vmem>>, vector<16xf32>,
        %mul3A_393 = arith.constant 8.000000e+00 : f32
        %mul3A_394 = vector.broadcast %mul3A_393 : f32 to vector<16xf32>
        %mul3A_395 = arith.mulf %get3A_392, %mul3A_394 : vector<16xf32>
        %add3A_396 = arith.constant 3 : i32
        %add3A_397 = arith.addi %mul3A_194, %add3A_396 : i32
        %swap3A_398 = arith.index_cast %add3A_397 : i32 to index
        %swap3A_399 = arith.constant 48 : index
        %swap3A_400 = tpu.vector_load %arg7[%swap3A_398, %swap3A_399] {strides = array<i32>} : memref<200x64xf32, #tpu.memory_space<vmem>>, vector<16xf32>,
        tpu.vector_store %arg7[%swap3A_398, %swap3A_399], %mul3A_395 {strides = array<i32>} : memref<200x64xf32, #tpu.memory_space<vmem>>, vector<16xf32>,
      }
      %scan3A_116 = arith.constant 50 : i32
      %add3A_117 = arith.addi %mul3A_2, %add3A_96 : i32
      %dma_start3A_118 = arith.constant 0 : i32
      %dma_start3A_119 = arith.constant 0 : i32
      %dma_start3A_120 = tpu.memref_slice %arg4[%add3A_117, %dma_start3A_118, %dma_start3A_119] : memref<4096x200x128xf32, #tpu.memory_space<hbm>> -> memref<1x200x64xf32, #tpu.memory_space<hbm>>
      %dma_start3A_121 = tpu.memref_squeeze %dma_start3A_120 : memref<1x200x64xf32, #tpu.memory_space<hbm>> -> memref<200x64xf32, #tpu.memory_space<hbm>>
      %dma_start3A_122 = arith.constant 0 : i32
      %dma_start3A_123 = arith.constant 0 : i32
      %dma_start3A_124 = tpu.memref_slice %arg4[%add3A_117, %dma_start3A_122, %dma_start3A_123] : memref<4096x200x128xf32, #tpu.memory_space<hbm>> -> memref<1x200x64xf32, #tpu.memory_space<hbm>>
      %dma_start3A_125 = tpu.memref_squeeze %dma_start3A_124 : memref<1x200x64xf32, #tpu.memory_space<hbm>> -> memref<200x64xf32, #tpu.memory_space<hbm>>
      tpu.enqueue_dma source(%arg7 : memref<200x64xf32, #tpu.memory_space<vmem>>) target(%dma_start3A_125 : memref<200x64xf32, #tpu.memory_space<hbm>>) target_semaphore(%arg15 : memref<!tpu.dma_semaphore, #tpu.memory_space<semaphore_mem>>)
      %mul3A_126 = arith.constant 4 : i32
      %mul3A_127 = arith.muli %scan3A_63, %mul3A_126 : i32
      %add3A_128 = arith.constant 2 : i32
      %add3A_129 = arith.addi %mul3A_127, %add3A_128 : i32
      %add3A_130 = arith.constant 4 : i32
      %add3A_131 = arith.addi %add3A_129, %add3A_130 : i32
      %sub3A_132 = arith.constant 1 : i32
      %sub3A_133 = arith.subi %add3A_131, %sub3A_132 : i32
      %lt3A_134 = arith.constant 128 : i32
      %lt3A_135 = arith.cmpi slt, %sub3A_133, %lt3A_134 : i32
      %convert_element_type3A_136 = arith.extui %lt3A_135 : i1 to i32
      %cond3A_137 = arith.constant 0 : i32
      %cond3A_138 = arith.cmpi ne, %convert_element_type3A_136, %cond3A_137 : i32
      scf.if %cond3A_138 {
        %ge3A = arith.constant 4 : i32
        %ge3A_192 = arith.cmpi sge, %sub3A_133, %ge3A : i32
        %convert_element_type3A_193 = arith.extui %ge3A_192 : i1 to i32
        %cond3A_194 = arith.constant 0 : i32
        %cond3A_195 = arith.cmpi ne, %convert_element_type3A_193, %cond3A_194 : i32
        scf.if %cond3A_195 {
          %add3A_202 = arith.constant 0 : i32
          %add3A_203 = arith.addi %mul3A_2, %add3A_202 : i32
          %dma_wait3A_204 = arith.constant 0 : i32
          %dma_wait3A_205 = arith.constant 0 : i32
          %dma_wait3A_206 = tpu.memref_slice %arg4[%add3A_203, %dma_wait3A_204, %dma_wait3A_205] : memref<4096x200x128xf32, #tpu.memory_space<hbm>> -> memref<1x200x64xf32, #tpu.memory_space<hbm>>
          %dma_wait3A_207 = tpu.memref_squeeze %dma_wait3A_206 : memref<1x200x64xf32, #tpu.memory_space<hbm>> -> memref<200x64xf32, #tpu.memory_space<hbm>>
          %dma_wait3A_208 = arith.constant 0 : i32
          %dma_wait3A_209 = arith.constant 0 : i32
          %dma_wait3A_210 = tpu.memref_slice %arg4[%add3A_203, %dma_wait3A_208, %dma_wait3A_209] : memref<4096x200x128xf32, #tpu.memory_space<hbm>> -> memref<1x200x64xf32, #tpu.memory_space<hbm>>
          %dma_wait3A_211 = tpu.memref_squeeze %dma_wait3A_210 : memref<1x200x64xf32, #tpu.memory_space<hbm>> -> memref<200x64xf32, #tpu.memory_space<hbm>>
          tpu.wait_dma2 semaphore(%arg15 : memref<!tpu.dma_semaphore, #tpu.memory_space<semaphore_mem>>) src(%arg7 : memref<200x64xf32, #tpu.memory_space<vmem>>) dst(%dma_wait3A_211 : memref<200x64xf32, #tpu.memory_space<hbm>>)
        } else {
        }
        %mul3A_196 = arith.constant 200 : i32
        %mul3A_197 = arith.muli %sub3A_133, %mul3A_196 : i32
        %dma_start3A_198 = tpu.memref_slice %arg5[%mul3A_197] : memref<25600xi32, #tpu.memory_space<vmem>> -> memref<200xi32, #tpu.memory_space<vmem>>
        %dma_start3A_199 = arith.constant 0 : i32
        %dma_start3A_200 = arith.constant 0 : i32
        %dma_start3A_201 = tpu.memref_slice %arg3[%dma_start3A_199, %dma_start3A_200] : memref<1000000x64xf32, #tpu.memory_space<hbm>> -> memref<1000000x64xf32, #tpu.memory_space<hbm>>
        tpu.enqueue_indirect_dma source(%dma_start3A_201 : memref<1000000x64xf32, #tpu.memory_space<hbm>>) target(%arg7 : memref<200x64xf32, #tpu.memory_space<vmem>>) offsets(%dma_start3A_198 : memref<200xi32, #tpu.memory_space<vmem>>) semaphore(%arg11 : memref<!tpu.dma_semaphore, #tpu.memory_space<semaphore_mem>>)
      } else {
      }
      %dma_wait3A_139 = arith.constant 0 : i32
      %dma_wait3A_140 = tpu.memref_slice %arg5[%dma_wait3A_139] : memref<25600xi32, #tpu.memory_space<vmem>> -> memref<200xi32, #tpu.memory_space<vmem>>
      %dma_wait3A_141 = arith.constant 0 : i32
      %dma_wait3A_142 = arith.constant 0 : i32
      %dma_wait3A_143 = tpu.memref_slice %arg3[%dma_wait3A_141, %dma_wait3A_142] : memref<1000000x64xf32, #tpu.memory_space<hbm>> -> memref<1000000x64xf32, #tpu.memory_space<hbm>>
      tpu.wait_indirect_dma semaphore(%arg12 : memref<!tpu.dma_semaphore, #tpu.memory_space<semaphore_mem>>) src(%dma_wait3A_143 : memref<1000000x64xf32, #tpu.memory_space<hbm>>) dst(%arg8 : memref<200x64xf32, #tpu.memory_space<vmem>>)
      %scan3A_144 = arith.constant 0 : i32
      %scan3A_145 = arith.constant 0 : i32
      %scan3A_146 = arith.constant 50 : i32
      %scan3A_147 = arith.addi %scan3A_145, %scan3A_146 : i32
      %scan3A_148 = arith.constant 1 : i32
      scf.for %scan3A_192 = %scan3A_145 to %scan3A_147 step %scan3A_148  : i32 {
        %mul3A_193 = arith.constant 4 : i32
        %mul3A_194 = arith.muli %scan3A_192, %mul3A_193 : i32
        %add3A_195 = arith.constant 0 : i32
        %add3A_196 = arith.addi %mul3A_194, %add3A_195 : i32
        %get3A = arith.index_cast %add3A_196 : i32 to index
        %get3A_197 = arith.constant 0 : index
        %get3A_198 = tpu.vector_load %arg8[%get3A, %get3A_197] {strides = array<i32>} : memref<200x64xf32, #tpu.memory_space<vmem>>, vector<16xf32>,
        %mul3A_199 = arith.constant 8.000000e+00 : f32
        %mul3A_200 = vector.broadcast %mul3A_199 : f32 to vector<16xf32>
        %mul3A_201 = arith.mulf %get3A_198, %mul3A_200 : vector<16xf32>
        %add3A_202 = arith.constant 0 : i32
        %add3A_203 = arith.addi %mul3A_194, %add3A_202 : i32
        %swap3A = arith.index_cast %add3A_203 : i32 to index
        %swap3A_204 = arith.constant 0 : index
        %swap3A_205 = tpu.vector_load %arg8[%swap3A, %swap3A_204] {strides = array<i32>} : memref<200x64xf32, #tpu.memory_space<vmem>>, vector<16xf32>,
        tpu.vector_store %arg8[%swap3A, %swap3A_204], %mul3A_201 {strides = array<i32>} : memref<200x64xf32, #tpu.memory_space<vmem>>, vector<16xf32>,
        %add3A_206 = arith.constant 0 : i32
        %add3A_207 = arith.addi %mul3A_194, %add3A_206 : i32
        %get3A_208 = arith.index_cast %add3A_207 : i32 to index
        %get3A_209 = arith.constant 16 : index
        %get3A_210 = tpu.vector_load %arg8[%get3A_208, %get3A_209] {strides = array<i32>} : memref<200x64xf32, #tpu.memory_space<vmem>>, vector<16xf32>,
        %mul3A_211 = arith.constant 8.000000e+00 : f32
        %mul3A_212 = vector.broadcast %mul3A_211 : f32 to vector<16xf32>
        %mul3A_213 = arith.mulf %get3A_210, %mul3A_212 : vector<16xf32>
        %add3A_214 = arith.constant 0 : i32
        %add3A_215 = arith.addi %mul3A_194, %add3A_214 : i32
        %swap3A_216 = arith.index_cast %add3A_215 : i32 to index
        %swap3A_217 = arith.constant 16 : index
        %swap3A_218 = tpu.vector_load %arg8[%swap3A_216, %swap3A_217] {strides = array<i32>} : memref<200x64xf32, #tpu.memory_space<vmem>>, vector<16xf32>,
        tpu.vector_store %arg8[%swap3A_216, %swap3A_217], %mul3A_213 {strides = array<i32>} : memref<200x64xf32, #tpu.memory_space<vmem>>, vector<16xf32>,
        %add3A_219 = arith.constant 0 : i32
        %add3A_220 = arith.addi %mul3A_194, %add3A_219 : i32
        %get3A_221 = arith.index_cast %add3A_220 : i32 to index
        %get3A_222 = arith.constant 32 : index
        %get3A_223 = tpu.vector_load %arg8[%get3A_221, %get3A_222] {strides = array<i32>} : memref<200x64xf32, #tpu.memory_space<vmem>>, vector<16xf32>,
        %mul3A_224 = arith.constant 8.000000e+00 : f32
        %mul3A_225 = vector.broadcast %mul3A_224 : f32 to vector<16xf32>
        %mul3A_226 = arith.mulf %get3A_223, %mul3A_225 : vector<16xf32>
        %add3A_227 = arith.constant 0 : i32
        %add3A_228 = arith.addi %mul3A_194, %add3A_227 : i32
        %swap3A_229 = arith.index_cast %add3A_228 : i32 to index
        %swap3A_230 = arith.constant 32 : index
        %swap3A_231 = tpu.vector_load %arg8[%swap3A_229, %swap3A_230] {strides = array<i32>} : memref<200x64xf32, #tpu.memory_space<vmem>>, vector<16xf32>,
        tpu.vector_store %arg8[%swap3A_229, %swap3A_230], %mul3A_226 {strides = array<i32>} : memref<200x64xf32, #tpu.memory_space<vmem>>, vector<16xf32>,
        %add3A_232 = arith.constant 0 : i32
        %add3A_233 = arith.addi %mul3A_194, %add3A_232 : i32
        %get3A_234 = arith.index_cast %add3A_233 : i32 to index
        %get3A_235 = arith.constant 48 : index
        %get3A_236 = tpu.vector_load %arg8[%get3A_234, %get3A_235] {strides = array<i32>} : memref<200x64xf32, #tpu.memory_space<vmem>>, vector<16xf32>,
        %mul3A_237 = arith.constant 8.000000e+00 : f32
        %mul3A_238 = vector.broadcast %mul3A_237 : f32 to vector<16xf32>
        %mul3A_239 = arith.mulf %get3A_236, %mul3A_238 : vector<16xf32>
        %add3A_240 = arith.constant 0 : i32
        %add3A_241 = arith.addi %mul3A_194, %add3A_240 : i32
        %swap3A_242 = arith.index_cast %add3A_241 : i32 to index
        %swap3A_243 = arith.constant 48 : index
        %swap3A_244 = tpu.vector_load %arg8[%swap3A_242, %swap3A_243] {strides = array<i32>} : memref<200x64xf32, #tpu.memory_space<vmem>>, vector<16xf32>,
        tpu.vector_store %arg8[%swap3A_242, %swap3A_243], %mul3A_239 {strides = array<i32>} : memref<200x64xf32, #tpu.memory_space<vmem>>, vector<16xf32>,
        %add3A_245 = arith.constant 1 : i32
        %add3A_246 = arith.addi %mul3A_194, %add3A_245 : i32
        %get3A_247 = arith.index_cast %add3A_246 : i32 to index
        %get3A_248 = arith.constant 0 : index
        %get3A_249 = tpu.vector_load %arg8[%get3A_247, %get3A_248] {strides = array<i32>} : memref<200x64xf32, #tpu.memory_space<vmem>>, vector<16xf32>,
        %mul3A_250 = arith.constant 8.000000e+00 : f32
        %mul3A_251 = vector.broadcast %mul3A_250 : f32 to vector<16xf32>
        %mul3A_252 = arith.mulf %get3A_249, %mul3A_251 : vector<16xf32>
        %add3A_253 = arith.constant 1 : i32
        %add3A_254 = arith.addi %mul3A_194, %add3A_253 : i32
        %swap3A_255 = arith.index_cast %add3A_254 : i32 to index
        %swap3A_256 = arith.constant 0 : index
        %swap3A_257 = tpu.vector_load %arg8[%swap3A_255, %swap3A_256] {strides = array<i32>} : memref<200x64xf32, #tpu.memory_space<vmem>>, vector<16xf32>,
        tpu.vector_store %arg8[%swap3A_255, %swap3A_256], %mul3A_252 {strides = array<i32>} : memref<200x64xf32, #tpu.memory_space<vmem>>, vector<16xf32>,
        %add3A_258 = arith.constant 1 : i32
        %add3A_259 = arith.addi %mul3A_194, %add3A_258 : i32
        %get3A_260 = arith.index_cast %add3A_259 : i32 to index
        %get3A_261 = arith.constant 16 : index
        %get3A_262 = tpu.vector_load %arg8[%get3A_260, %get3A_261] {strides = array<i32>} : memref<200x64xf32, #tpu.memory_space<vmem>>, vector<16xf32>,
        %mul3A_263 = arith.constant 8.000000e+00 : f32
        %mul3A_264 = vector.broadcast %mul3A_263 : f32 to vector<16xf32>
        %mul3A_265 = arith.mulf %get3A_262, %mul3A_264 : vector<16xf32>
        %add3A_266 = arith.constant 1 : i32
        %add3A_267 = arith.addi %mul3A_194, %add3A_266 : i32
        %swap3A_268 = arith.index_cast %add3A_267 : i32 to index
        %swap3A_269 = arith.constant 16 : index
        %swap3A_270 = tpu.vector_load %arg8[%swap3A_268, %swap3A_269] {strides = array<i32>} : memref<200x64xf32, #tpu.memory_space<vmem>>, vector<16xf32>,
        tpu.vector_store %arg8[%swap3A_268, %swap3A_269], %mul3A_265 {strides = array<i32>} : memref<200x64xf32, #tpu.memory_space<vmem>>, vector<16xf32>,
        %add3A_271 = arith.constant 1 : i32
        %add3A_272 = arith.addi %mul3A_194, %add3A_271 : i32
        %get3A_273 = arith.index_cast %add3A_272 : i32 to index
        %get3A_274 = arith.constant 32 : index
        %get3A_275 = tpu.vector_load %arg8[%get3A_273, %get3A_274] {strides = array<i32>} : memref<200x64xf32, #tpu.memory_space<vmem>>, vector<16xf32>,
        %mul3A_276 = arith.constant 8.000000e+00 : f32
        %mul3A_277 = vector.broadcast %mul3A_276 : f32 to vector<16xf32>
        %mul3A_278 = arith.mulf %get3A_275, %mul3A_277 : vector<16xf32>
        %add3A_279 = arith.constant 1 : i32
        %add3A_280 = arith.addi %mul3A_194, %add3A_279 : i32
        %swap3A_281 = arith.index_cast %add3A_280 : i32 to index
        %swap3A_282 = arith.constant 32 : index
        %swap3A_283 = tpu.vector_load %arg8[%swap3A_281, %swap3A_282] {strides = array<i32>} : memref<200x64xf32, #tpu.memory_space<vmem>>, vector<16xf32>,
        tpu.vector_store %arg8[%swap3A_281, %swap3A_282], %mul3A_278 {strides = array<i32>} : memref<200x64xf32, #tpu.memory_space<vmem>>, vector<16xf32>,
        %add3A_284 = arith.constant 1 : i32
        %add3A_285 = arith.addi %mul3A_194, %add3A_284 : i32
        %get3A_286 = arith.index_cast %add3A_285 : i32 to index
        %get3A_287 = arith.constant 48 : index
        %get3A_288 = tpu.vector_load %arg8[%get3A_286, %get3A_287] {strides = array<i32>} : memref<200x64xf32, #tpu.memory_space<vmem>>, vector<16xf32>,
        %mul3A_289 = arith.constant 8.000000e+00 : f32
        %mul3A_290 = vector.broadcast %mul3A_289 : f32 to vector<16xf32>
        %mul3A_291 = arith.mulf %get3A_288, %mul3A_290 : vector<16xf32>
        %add3A_292 = arith.constant 1 : i32
        %add3A_293 = arith.addi %mul3A_194, %add3A_292 : i32
        %swap3A_294 = arith.index_cast %add3A_293 : i32 to index
        %swap3A_295 = arith.constant 48 : index
        %swap3A_296 = tpu.vector_load %arg8[%swap3A_294, %swap3A_295] {strides = array<i32>} : memref<200x64xf32, #tpu.memory_space<vmem>>, vector<16xf32>,
        tpu.vector_store %arg8[%swap3A_294, %swap3A_295], %mul3A_291 {strides = array<i32>} : memref<200x64xf32, #tpu.memory_space<vmem>>, vector<16xf32>,
        %add3A_297 = arith.constant 2 : i32
        %add3A_298 = arith.addi %mul3A_194, %add3A_297 : i32
        %get3A_299 = arith.index_cast %add3A_298 : i32 to index
        %get3A_300 = arith.constant 0 : index
        %get3A_301 = tpu.vector_load %arg8[%get3A_299, %get3A_300] {strides = array<i32>} : memref<200x64xf32, #tpu.memory_space<vmem>>, vector<16xf32>,
        %mul3A_302 = arith.constant 8.000000e+00 : f32
        %mul3A_303 = vector.broadcast %mul3A_302 : f32 to vector<16xf32>
        %mul3A_304 = arith.mulf %get3A_301, %mul3A_303 : vector<16xf32>
        %add3A_305 = arith.constant 2 : i32
        %add3A_306 = arith.addi %mul3A_194, %add3A_305 : i32
        %swap3A_307 = arith.index_cast %add3A_306 : i32 to index
        %swap3A_308 = arith.constant 0 : index
        %swap3A_309 = tpu.vector_load %arg8[%swap3A_307, %swap3A_308] {strides = array<i32>} : memref<200x64xf32, #tpu.memory_space<vmem>>, vector<16xf32>,
        tpu.vector_store %arg8[%swap3A_307, %swap3A_308], %mul3A_304 {strides = array<i32>} : memref<200x64xf32, #tpu.memory_space<vmem>>, vector<16xf32>,
        %add3A_310 = arith.constant 2 : i32
        %add3A_311 = arith.addi %mul3A_194, %add3A_310 : i32
        %get3A_312 = arith.index_cast %add3A_311 : i32 to index
        %get3A_313 = arith.constant 16 : index
        %get3A_314 = tpu.vector_load %arg8[%get3A_312, %get3A_313] {strides = array<i32>} : memref<200x64xf32, #tpu.memory_space<vmem>>, vector<16xf32>,
        %mul3A_315 = arith.constant 8.000000e+00 : f32
        %mul3A_316 = vector.broadcast %mul3A_315 : f32 to vector<16xf32>
        %mul3A_317 = arith.mulf %get3A_314, %mul3A_316 : vector<16xf32>
        %add3A_318 = arith.constant 2 : i32
        %add3A_319 = arith.addi %mul3A_194, %add3A_318 : i32
        %swap3A_320 = arith.index_cast %add3A_319 : i32 to index
        %swap3A_321 = arith.constant 16 : index
        %swap3A_322 = tpu.vector_load %arg8[%swap3A_320, %swap3A_321] {strides = array<i32>} : memref<200x64xf32, #tpu.memory_space<vmem>>, vector<16xf32>,
        tpu.vector_store %arg8[%swap3A_320, %swap3A_321], %mul3A_317 {strides = array<i32>} : memref<200x64xf32, #tpu.memory_space<vmem>>, vector<16xf32>,
        %add3A_323 = arith.constant 2 : i32
        %add3A_324 = arith.addi %mul3A_194, %add3A_323 : i32
        %get3A_325 = arith.index_cast %add3A_324 : i32 to index
        %get3A_326 = arith.constant 32 : index
        %get3A_327 = tpu.vector_load %arg8[%get3A_325, %get3A_326] {strides = array<i32>} : memref<200x64xf32, #tpu.memory_space<vmem>>, vector<16xf32>,
        %mul3A_328 = arith.constant 8.000000e+00 : f32
        %mul3A_329 = vector.broadcast %mul3A_328 : f32 to vector<16xf32>
        %mul3A_330 = arith.mulf %get3A_327, %mul3A_329 : vector<16xf32>
        %add3A_331 = arith.constant 2 : i32
        %add3A_332 = arith.addi %mul3A_194, %add3A_331 : i32
        %swap3A_333 = arith.index_cast %add3A_332 : i32 to index
        %swap3A_334 = arith.constant 32 : index
        %swap3A_335 = tpu.vector_load %arg8[%swap3A_333, %swap3A_334] {strides = array<i32>} : memref<200x64xf32, #tpu.memory_space<vmem>>, vector<16xf32>,
        tpu.vector_store %arg8[%swap3A_333, %swap3A_334], %mul3A_330 {strides = array<i32>} : memref<200x64xf32, #tpu.memory_space<vmem>>, vector<16xf32>,
        %add3A_336 = arith.constant 2 : i32
        %add3A_337 = arith.addi %mul3A_194, %add3A_336 : i32
        %get3A_338 = arith.index_cast %add3A_337 : i32 to index
        %get3A_339 = arith.constant 48 : index
        %get3A_340 = tpu.vector_load %arg8[%get3A_338, %get3A_339] {strides = array<i32>} : memref<200x64xf32, #tpu.memory_space<vmem>>, vector<16xf32>,
        %mul3A_341 = arith.constant 8.000000e+00 : f32
        %mul3A_342 = vector.broadcast %mul3A_341 : f32 to vector<16xf32>
        %mul3A_343 = arith.mulf %get3A_340, %mul3A_342 : vector<16xf32>
        %add3A_344 = arith.constant 2 : i32
        %add3A_345 = arith.addi %mul3A_194, %add3A_344 : i32
        %swap3A_346 = arith.index_cast %add3A_345 : i32 to index
        %swap3A_347 = arith.constant 48 : index
        %swap3A_348 = tpu.vector_load %arg8[%swap3A_346, %swap3A_347] {strides = array<i32>} : memref<200x64xf32, #tpu.memory_space<vmem>>, vector<16xf32>,
        tpu.vector_store %arg8[%swap3A_346, %swap3A_347], %mul3A_343 {strides = array<i32>} : memref<200x64xf32, #tpu.memory_space<vmem>>, vector<16xf32>,
        %add3A_349 = arith.constant 3 : i32
        %add3A_350 = arith.addi %mul3A_194, %add3A_349 : i32
        %get3A_351 = arith.index_cast %add3A_350 : i32 to index
        %get3A_352 = arith.constant 0 : index
        %get3A_353 = tpu.vector_load %arg8[%get3A_351, %get3A_352] {strides = array<i32>} : memref<200x64xf32, #tpu.memory_space<vmem>>, vector<16xf32>,
        %mul3A_354 = arith.constant 8.000000e+00 : f32
        %mul3A_355 = vector.broadcast %mul3A_354 : f32 to vector<16xf32>
        %mul3A_356 = arith.mulf %get3A_353, %mul3A_355 : vector<16xf32>
        %add3A_357 = arith.constant 3 : i32
        %add3A_358 = arith.addi %mul3A_194, %add3A_357 : i32
        %swap3A_359 = arith.index_cast %add3A_358 : i32 to index
        %swap3A_360 = arith.constant 0 : index
        %swap3A_361 = tpu.vector_load %arg8[%swap3A_359, %swap3A_360] {strides = array<i32>} : memref<200x64xf32, #tpu.memory_space<vmem>>, vector<16xf32>,
        tpu.vector_store %arg8[%swap3A_359, %swap3A_360], %mul3A_356 {strides = array<i32>} : memref<200x64xf32, #tpu.memory_space<vmem>>, vector<16xf32>,
        %add3A_362 = arith.constant 3 : i32
        %add3A_363 = arith.addi %mul3A_194, %add3A_362 : i32
        %get3A_364 = arith.index_cast %add3A_363 : i32 to index
        %get3A_365 = arith.constant 16 : index
        %get3A_366 = tpu.vector_load %arg8[%get3A_364, %get3A_365] {strides = array<i32>} : memref<200x64xf32, #tpu.memory_space<vmem>>, vector<16xf32>,
        %mul3A_367 = arith.constant 8.000000e+00 : f32
        %mul3A_368 = vector.broadcast %mul3A_367 : f32 to vector<16xf32>
        %mul3A_369 = arith.mulf %get3A_366, %mul3A_368 : vector<16xf32>
        %add3A_370 = arith.constant 3 : i32
        %add3A_371 = arith.addi %mul3A_194, %add3A_370 : i32
        %swap3A_372 = arith.index_cast %add3A_371 : i32 to index
        %swap3A_373 = arith.constant 16 : index
        %swap3A_374 = tpu.vector_load %arg8[%swap3A_372, %swap3A_373] {strides = array<i32>} : memref<200x64xf32, #tpu.memory_space<vmem>>, vector<16xf32>,
        tpu.vector_store %arg8[%swap3A_372, %swap3A_373], %mul3A_369 {strides = array<i32>} : memref<200x64xf32, #tpu.memory_space<vmem>>, vector<16xf32>,
        %add3A_375 = arith.constant 3 : i32
        %add3A_376 = arith.addi %mul3A_194, %add3A_375 : i32
        %get3A_377 = arith.index_cast %add3A_376 : i32 to index
        %get3A_378 = arith.constant 32 : index
        %get3A_379 = tpu.vector_load %arg8[%get3A_377, %get3A_378] {strides = array<i32>} : memref<200x64xf32, #tpu.memory_space<vmem>>, vector<16xf32>,
        %mul3A_380 = arith.constant 8.000000e+00 : f32
        %mul3A_381 = vector.broadcast %mul3A_380 : f32 to vector<16xf32>
        %mul3A_382 = arith.mulf %get3A_379, %mul3A_381 : vector<16xf32>
        %add3A_383 = arith.constant 3 : i32
        %add3A_384 = arith.addi %mul3A_194, %add3A_383 : i32
        %swap3A_385 = arith.index_cast %add3A_384 : i32 to index
        %swap3A_386 = arith.constant 32 : index
        %swap3A_387 = tpu.vector_load %arg8[%swap3A_385, %swap3A_386] {strides = array<i32>} : memref<200x64xf32, #tpu.memory_space<vmem>>, vector<16xf32>,
        tpu.vector_store %arg8[%swap3A_385, %swap3A_386], %mul3A_382 {strides = array<i32>} : memref<200x64xf32, #tpu.memory_space<vmem>>, vector<16xf32>,
        %add3A_388 = arith.constant 3 : i32
        %add3A_389 = arith.addi %mul3A_194, %add3A_388 : i32
        %get3A_390 = arith.index_cast %add3A_389 : i32 to index
        %get3A_391 = arith.constant 48 : index
        %get3A_392 = tpu.vector_load %arg8[%get3A_390, %get3A_391] {strides = array<i32>} : memref<200x64xf32, #tpu.memory_space<vmem>>, vector<16xf32>,
        %mul3A_393 = arith.constant 8.000000e+00 : f32
        %mul3A_394 = vector.broadcast %mul3A_393 : f32 to vector<16xf32>
        %mul3A_395 = arith.mulf %get3A_392, %mul3A_394 : vector<16xf32>
        %add3A_396 = arith.constant 3 : i32
        %add3A_397 = arith.addi %mul3A_194, %add3A_396 : i32
        %swap3A_398 = arith.index_cast %add3A_397 : i32 to index
        %swap3A_399 = arith.constant 48 : index
        %swap3A_400 = tpu.vector_load %arg8[%swap3A_398, %swap3A_399] {strides = array<i32>} : memref<200x64xf32, #tpu.memory_space<vmem>>, vector<16xf32>,
        tpu.vector_store %arg8[%swap3A_398, %swap3A_399], %mul3A_395 {strides = array<i32>} : memref<200x64xf32, #tpu.memory_space<vmem>>, vector<16xf32>,
      }
      %scan3A_149 = arith.constant 50 : i32
      %add3A_150 = arith.addi %mul3A_2, %add3A_129 : i32
      %dma_start3A_151 = arith.constant 0 : i32
      %dma_start3A_152 = arith.constant 0 : i32
      %dma_start3A_153 = tpu.memref_slice %arg4[%add3A_150, %dma_start3A_151, %dma_start3A_152] : memref<4096x200x128xf32, #tpu.memory_space<hbm>> -> memref<1x200x64xf32, #tpu.memory_space<hbm>>
      %dma_start3A_154 = tpu.memref_squeeze %dma_start3A_153 : memref<1x200x64xf32, #tpu.memory_space<hbm>> -> memref<200x64xf32, #tpu.memory_space<hbm>>
      %dma_start3A_155 = arith.constant 0 : i32
      %dma_start3A_156 = arith.constant 0 : i32
      %dma_start3A_157 = tpu.memref_slice %arg4[%add3A_150, %dma_start3A_155, %dma_start3A_156] : memref<4096x200x128xf32, #tpu.memory_space<hbm>> -> memref<1x200x64xf32, #tpu.memory_space<hbm>>
      %dma_start3A_158 = tpu.memref_squeeze %dma_start3A_157 : memref<1x200x64xf32, #tpu.memory_space<hbm>> -> memref<200x64xf32, #tpu.memory_space<hbm>>
      tpu.enqueue_dma source(%arg8 : memref<200x64xf32, #tpu.memory_space<vmem>>) target(%dma_start3A_158 : memref<200x64xf32, #tpu.memory_space<hbm>>) target_semaphore(%arg16 : memref<!tpu.dma_semaphore, #tpu.memory_space<semaphore_mem>>)
      %mul3A_159 = arith.constant 4 : i32
      %mul3A_160 = arith.muli %scan3A_63, %mul3A_159 : i32
      %add3A_161 = arith.constant 3 : i32
      %add3A_162 = arith.addi %mul3A_160, %add3A_161 : i32
      %add3A_163 = arith.constant 4 : i32
      %add3A_164 = arith.addi %add3A_162, %add3A_163 : i32
      %sub3A_165 = arith.constant 1 : i32
      %sub3A_166 = arith.subi %add3A_164, %sub3A_165 : i32
      %lt3A_167 = arith.constant 128 : i32
      %lt3A_168 = arith.cmpi slt, %sub3A_166, %lt3A_167 : i32
      %convert_element_type3A_169 = arith.extui %lt3A_168 : i1 to i32
      %cond3A_170 = arith.constant 0 : i32
      %cond3A_171 = arith.cmpi ne, %convert_element_type3A_169, %cond3A_170 : i32
      scf.if %cond3A_171 {
        %ge3A = arith.constant 4 : i32
        %ge3A_192 = arith.cmpi sge, %sub3A_166, %ge3A : i32
        %convert_element_type3A_193 = arith.extui %ge3A_192 : i1 to i32
        %cond3A_194 = arith.constant 0 : i32
        %cond3A_195 = arith.cmpi ne, %convert_element_type3A_193, %cond3A_194 : i32
        scf.if %cond3A_195 {
          %add3A_202 = arith.constant 0 : i32
          %add3A_203 = arith.addi %mul3A_2, %add3A_202 : i32
          %dma_wait3A_204 = arith.constant 0 : i32
          %dma_wait3A_205 = arith.constant 0 : i32
          %dma_wait3A_206 = tpu.memref_slice %arg4[%add3A_203, %dma_wait3A_204, %dma_wait3A_205] : memref<4096x200x128xf32, #tpu.memory_space<hbm>> -> memref<1x200x64xf32, #tpu.memory_space<hbm>>
          %dma_wait3A_207 = tpu.memref_squeeze %dma_wait3A_206 : memref<1x200x64xf32, #tpu.memory_space<hbm>> -> memref<200x64xf32, #tpu.memory_space<hbm>>
          %dma_wait3A_208 = arith.constant 0 : i32
          %dma_wait3A_209 = arith.constant 0 : i32
          %dma_wait3A_210 = tpu.memref_slice %arg4[%add3A_203, %dma_wait3A_208, %dma_wait3A_209] : memref<4096x200x128xf32, #tpu.memory_space<hbm>> -> memref<1x200x64xf32, #tpu.memory_space<hbm>>
          %dma_wait3A_211 = tpu.memref_squeeze %dma_wait3A_210 : memref<1x200x64xf32, #tpu.memory_space<hbm>> -> memref<200x64xf32, #tpu.memory_space<hbm>>
          tpu.wait_dma2 semaphore(%arg16 : memref<!tpu.dma_semaphore, #tpu.memory_space<semaphore_mem>>) src(%arg8 : memref<200x64xf32, #tpu.memory_space<vmem>>) dst(%dma_wait3A_211 : memref<200x64xf32, #tpu.memory_space<hbm>>)
        } else {
        }
        %mul3A_196 = arith.constant 200 : i32
        %mul3A_197 = arith.muli %sub3A_166, %mul3A_196 : i32
        %dma_start3A_198 = tpu.memref_slice %arg5[%mul3A_197] : memref<25600xi32, #tpu.memory_space<vmem>> -> memref<200xi32, #tpu.memory_space<vmem>>
        %dma_start3A_199 = arith.constant 0 : i32
        %dma_start3A_200 = arith.constant 0 : i32
        %dma_start3A_201 = tpu.memref_slice %arg3[%dma_start3A_199, %dma_start3A_200] : memref<1000000x64xf32, #tpu.memory_space<hbm>> -> memref<1000000x64xf32, #tpu.memory_space<hbm>>
        tpu.enqueue_indirect_dma source(%dma_start3A_201 : memref<1000000x64xf32, #tpu.memory_space<hbm>>) target(%arg8 : memref<200x64xf32, #tpu.memory_space<vmem>>) offsets(%dma_start3A_198 : memref<200xi32, #tpu.memory_space<vmem>>) semaphore(%arg12 : memref<!tpu.dma_semaphore, #tpu.memory_space<semaphore_mem>>)
      } else {
      }
      %dma_wait3A_172 = arith.constant 0 : i32
      %dma_wait3A_173 = tpu.memref_slice %arg5[%dma_wait3A_172] : memref<25600xi32, #tpu.memory_space<vmem>> -> memref<200xi32, #tpu.memory_space<vmem>>
      %dma_wait3A_174 = arith.constant 0 : i32
      %dma_wait3A_175 = arith.constant 0 : i32
      %dma_wait3A_176 = tpu.memref_slice %arg3[%dma_wait3A_174, %dma_wait3A_175] : memref<1000000x64xf32, #tpu.memory_space<hbm>> -> memref<1000000x64xf32, #tpu.memory_space<hbm>>
      tpu.wait_indirect_dma semaphore(%arg13 : memref<!tpu.dma_semaphore, #tpu.memory_space<semaphore_mem>>) src(%dma_wait3A_176 : memref<1000000x64xf32, #tpu.memory_space<hbm>>) dst(%arg9 : memref<200x64xf32, #tpu.memory_space<vmem>>)
      %scan3A_177 = arith.constant 0 : i32
      %scan3A_178 = arith.constant 0 : i32
      %scan3A_179 = arith.constant 50 : i32
      %scan3A_180 = arith.addi %scan3A_178, %scan3A_179 : i32
      %scan3A_181 = arith.constant 1 : i32
      scf.for %scan3A_192 = %scan3A_178 to %scan3A_180 step %scan3A_181  : i32 {
        %mul3A_193 = arith.constant 4 : i32
        %mul3A_194 = arith.muli %scan3A_192, %mul3A_193 : i32
        %add3A_195 = arith.constant 0 : i32
        %add3A_196 = arith.addi %mul3A_194, %add3A_195 : i32
        %get3A = arith.index_cast %add3A_196 : i32 to index
        %get3A_197 = arith.constant 0 : index
        %get3A_198 = tpu.vector_load %arg9[%get3A, %get3A_197] {strides = array<i32>} : memref<200x64xf32, #tpu.memory_space<vmem>>, vector<16xf32>,
        %mul3A_199 = arith.constant 8.000000e+00 : f32
        %mul3A_200 = vector.broadcast %mul3A_199 : f32 to vector<16xf32>
        %mul3A_201 = arith.mulf %get3A_198, %mul3A_200 : vector<16xf32>
        %add3A_202 = arith.constant 0 : i32
        %add3A_203 = arith.addi %mul3A_194, %add3A_202 : i32
        %swap3A = arith.index_cast %add3A_203 : i32 to index
        %swap3A_204 = arith.constant 0 : index
        %swap3A_205 = tpu.vector_load %arg9[%swap3A, %swap3A_204] {strides = array<i32>} : memref<200x64xf32, #tpu.memory_space<vmem>>, vector<16xf32>,
        tpu.vector_store %arg9[%swap3A, %swap3A_204], %mul3A_201 {strides = array<i32>} : memref<200x64xf32, #tpu.memory_space<vmem>>, vector<16xf32>,
        %add3A_206 = arith.constant 0 : i32
        %add3A_207 = arith.addi %mul3A_194, %add3A_206 : i32
        %get3A_208 = arith.index_cast %add3A_207 : i32 to index
        %get3A_209 = arith.constant 16 : index
        %get3A_210 = tpu.vector_load %arg9[%get3A_208, %get3A_209] {strides = array<i32>} : memref<200x64xf32, #tpu.memory_space<vmem>>, vector<16xf32>,
        %mul3A_211 = arith.constant 8.000000e+00 : f32
        %mul3A_212 = vector.broadcast %mul3A_211 : f32 to vector<16xf32>
        %mul3A_213 = arith.mulf %get3A_210, %mul3A_212 : vector<16xf32>
        %add3A_214 = arith.constant 0 : i32
        %add3A_215 = arith.addi %mul3A_194, %add3A_214 : i32
        %swap3A_216 = arith.index_cast %add3A_215 : i32 to index
        %swap3A_217 = arith.constant 16 : index
        %swap3A_218 = tpu.vector_load %arg9[%swap3A_216, %swap3A_217] {strides = array<i32>} : memref<200x64xf32, #tpu.memory_space<vmem>>, vector<16xf32>,
        tpu.vector_store %arg9[%swap3A_216, %swap3A_217], %mul3A_213 {strides = array<i32>} : memref<200x64xf32, #tpu.memory_space<vmem>>, vector<16xf32>,
        %add3A_219 = arith.constant 0 : i32
        %add3A_220 = arith.addi %mul3A_194, %add3A_219 : i32
        %get3A_221 = arith.index_cast %add3A_220 : i32 to index
        %get3A_222 = arith.constant 32 : index
        %get3A_223 = tpu.vector_load %arg9[%get3A_221, %get3A_222] {strides = array<i32>} : memref<200x64xf32, #tpu.memory_space<vmem>>, vector<16xf32>,
        %mul3A_224 = arith.constant 8.000000e+00 : f32
        %mul3A_225 = vector.broadcast %mul3A_224 : f32 to vector<16xf32>
        %mul3A_226 = arith.mulf %get3A_223, %mul3A_225 : vector<16xf32>
        %add3A_227 = arith.constant 0 : i32
        %add3A_228 = arith.addi %mul3A_194, %add3A_227 : i32
        %swap3A_229 = arith.index_cast %add3A_228 : i32 to index
        %swap3A_230 = arith.constant 32 : index
        %swap3A_231 = tpu.vector_load %arg9[%swap3A_229, %swap3A_230] {strides = array<i32>} : memref<200x64xf32, #tpu.memory_space<vmem>>, vector<16xf32>,
        tpu.vector_store %arg9[%swap3A_229, %swap3A_230], %mul3A_226 {strides = array<i32>} : memref<200x64xf32, #tpu.memory_space<vmem>>, vector<16xf32>,
        %add3A_232 = arith.constant 0 : i32
        %add3A_233 = arith.addi %mul3A_194, %add3A_232 : i32
        %get3A_234 = arith.index_cast %add3A_233 : i32 to index
        %get3A_235 = arith.constant 48 : index
        %get3A_236 = tpu.vector_load %arg9[%get3A_234, %get3A_235] {strides = array<i32>} : memref<200x64xf32, #tpu.memory_space<vmem>>, vector<16xf32>,
        %mul3A_237 = arith.constant 8.000000e+00 : f32
        %mul3A_238 = vector.broadcast %mul3A_237 : f32 to vector<16xf32>
        %mul3A_239 = arith.mulf %get3A_236, %mul3A_238 : vector<16xf32>
        %add3A_240 = arith.constant 0 : i32
        %add3A_241 = arith.addi %mul3A_194, %add3A_240 : i32
        %swap3A_242 = arith.index_cast %add3A_241 : i32 to index
        %swap3A_243 = arith.constant 48 : index
        %swap3A_244 = tpu.vector_load %arg9[%swap3A_242, %swap3A_243] {strides = array<i32>} : memref<200x64xf32, #tpu.memory_space<vmem>>, vector<16xf32>,
        tpu.vector_store %arg9[%swap3A_242, %swap3A_243], %mul3A_239 {strides = array<i32>} : memref<200x64xf32, #tpu.memory_space<vmem>>, vector<16xf32>,
        %add3A_245 = arith.constant 1 : i32
        %add3A_246 = arith.addi %mul3A_194, %add3A_245 : i32
        %get3A_247 = arith.index_cast %add3A_246 : i32 to index
        %get3A_248 = arith.constant 0 : index
        %get3A_249 = tpu.vector_load %arg9[%get3A_247, %get3A_248] {strides = array<i32>} : memref<200x64xf32, #tpu.memory_space<vmem>>, vector<16xf32>,
        %mul3A_250 = arith.constant 8.000000e+00 : f32
        %mul3A_251 = vector.broadcast %mul3A_250 : f32 to vector<16xf32>
        %mul3A_252 = arith.mulf %get3A_249, %mul3A_251 : vector<16xf32>
        %add3A_253 = arith.constant 1 : i32
        %add3A_254 = arith.addi %mul3A_194, %add3A_253 : i32
        %swap3A_255 = arith.index_cast %add3A_254 : i32 to index
        %swap3A_256 = arith.constant 0 : index
        %swap3A_257 = tpu.vector_load %arg9[%swap3A_255, %swap3A_256] {strides = array<i32>} : memref<200x64xf32, #tpu.memory_space<vmem>>, vector<16xf32>,
        tpu.vector_store %arg9[%swap3A_255, %swap3A_256], %mul3A_252 {strides = array<i32>} : memref<200x64xf32, #tpu.memory_space<vmem>>, vector<16xf32>,
        %add3A_258 = arith.constant 1 : i32
        %add3A_259 = arith.addi %mul3A_194, %add3A_258 : i32
        %get3A_260 = arith.index_cast %add3A_259 : i32 to index
        %get3A_261 = arith.constant 16 : index
        %get3A_262 = tpu.vector_load %arg9[%get3A_260, %get3A_261] {strides = array<i32>} : memref<200x64xf32, #tpu.memory_space<vmem>>, vector<16xf32>,
        %mul3A_263 = arith.constant 8.000000e+00 : f32
        %mul3A_264 = vector.broadcast %mul3A_263 : f32 to vector<16xf32>
        %mul3A_265 = arith.mulf %get3A_262, %mul3A_264 : vector<16xf32>
        %add3A_266 = arith.constant 1 : i32
        %add3A_267 = arith.addi %mul3A_194, %add3A_266 : i32
        %swap3A_268 = arith.index_cast %add3A_267 : i32 to index
        %swap3A_269 = arith.constant 16 : index
        %swap3A_270 = tpu.vector_load %arg9[%swap3A_268, %swap3A_269] {strides = array<i32>} : memref<200x64xf32, #tpu.memory_space<vmem>>, vector<16xf32>,
        tpu.vector_store %arg9[%swap3A_268, %swap3A_269], %mul3A_265 {strides = array<i32>} : memref<200x64xf32, #tpu.memory_space<vmem>>, vector<16xf32>,
        %add3A_271 = arith.constant 1 : i32
        %add3A_272 = arith.addi %mul3A_194, %add3A_271 : i32
        %get3A_273 = arith.index_cast %add3A_272 : i32 to index
        %get3A_274 = arith.constant 32 : index
        %get3A_275 = tpu.vector_load %arg9[%get3A_273, %get3A_274] {strides = array<i32>} : memref<200x64xf32, #tpu.memory_space<vmem>>, vector<16xf32>,
        %mul3A_276 = arith.constant 8.000000e+00 : f32
        %mul3A_277 = vector.broadcast %mul3A_276 : f32 to vector<16xf32>
        %mul3A_278 = arith.mulf %get3A_275, %mul3A_277 : vector<16xf32>
        %add3A_279 = arith.constant 1 : i32
        %add3A_280 = arith.addi %mul3A_194, %add3A_279 : i32
        %swap3A_281 = arith.index_cast %add3A_280 : i32 to index
        %swap3A_282 = arith.constant 32 : index
        %swap3A_283 = tpu.vector_load %arg9[%swap3A_281, %swap3A_282] {strides = array<i32>} : memref<200x64xf32, #tpu.memory_space<vmem>>, vector<16xf32>,
        tpu.vector_store %arg9[%swap3A_281, %swap3A_282], %mul3A_278 {strides = array<i32>} : memref<200x64xf32, #tpu.memory_space<vmem>>, vector<16xf32>,
        %add3A_284 = arith.constant 1 : i32
        %add3A_285 = arith.addi %mul3A_194, %add3A_284 : i32
        %get3A_286 = arith.index_cast %add3A_285 : i32 to index
        %get3A_287 = arith.constant 48 : index
        %get3A_288 = tpu.vector_load %arg9[%get3A_286, %get3A_287] {strides = array<i32>} : memref<200x64xf32, #tpu.memory_space<vmem>>, vector<16xf32>,
        %mul3A_289 = arith.constant 8.000000e+00 : f32
        %mul3A_290 = vector.broadcast %mul3A_289 : f32 to vector<16xf32>
        %mul3A_291 = arith.mulf %get3A_288, %mul3A_290 : vector<16xf32>
        %add3A_292 = arith.constant 1 : i32
        %add3A_293 = arith.addi %mul3A_194, %add3A_292 : i32
        %swap3A_294 = arith.index_cast %add3A_293 : i32 to index
        %swap3A_295 = arith.constant 48 : index
        %swap3A_296 = tpu.vector_load %arg9[%swap3A_294, %swap3A_295] {strides = array<i32>} : memref<200x64xf32, #tpu.memory_space<vmem>>, vector<16xf32>,
        tpu.vector_store %arg9[%swap3A_294, %swap3A_295], %mul3A_291 {strides = array<i32>} : memref<200x64xf32, #tpu.memory_space<vmem>>, vector<16xf32>,
        %add3A_297 = arith.constant 2 : i32
        %add3A_298 = arith.addi %mul3A_194, %add3A_297 : i32
        %get3A_299 = arith.index_cast %add3A_298 : i32 to index
        %get3A_300 = arith.constant 0 : index
        %get3A_301 = tpu.vector_load %arg9[%get3A_299, %get3A_300] {strides = array<i32>} : memref<200x64xf32, #tpu.memory_space<vmem>>, vector<16xf32>,
        %mul3A_302 = arith.constant 8.000000e+00 : f32
        %mul3A_303 = vector.broadcast %mul3A_302 : f32 to vector<16xf32>
        %mul3A_304 = arith.mulf %get3A_301, %mul3A_303 : vector<16xf32>
        %add3A_305 = arith.constant 2 : i32
        %add3A_306 = arith.addi %mul3A_194, %add3A_305 : i32
        %swap3A_307 = arith.index_cast %add3A_306 : i32 to index
        %swap3A_308 = arith.constant 0 : index
        %swap3A_309 = tpu.vector_load %arg9[%swap3A_307, %swap3A_308] {strides = array<i32>} : memref<200x64xf32, #tpu.memory_space<vmem>>, vector<16xf32>,
        tpu.vector_store %arg9[%swap3A_307, %swap3A_308], %mul3A_304 {strides = array<i32>} : memref<200x64xf32, #tpu.memory_space<vmem>>, vector<16xf32>,
        %add3A_310 = arith.constant 2 : i32
        %add3A_311 = arith.addi %mul3A_194, %add3A_310 : i32
        %get3A_312 = arith.index_cast %add3A_311 : i32 to index
        %get3A_313 = arith.constant 16 : index
        %get3A_314 = tpu.vector_load %arg9[%get3A_312, %get3A_313] {strides = array<i32>} : memref<200x64xf32, #tpu.memory_space<vmem>>, vector<16xf32>,
        %mul3A_315 = arith.constant 8.000000e+00 : f32
        %mul3A_316 = vector.broadcast %mul3A_315 : f32 to vector<16xf32>
        %mul3A_317 = arith.mulf %get3A_314, %mul3A_316 : vector<16xf32>
        %add3A_318 = arith.constant 2 : i32
        %add3A_319 = arith.addi %mul3A_194, %add3A_318 : i32
        %swap3A_320 = arith.index_cast %add3A_319 : i32 to index
        %swap3A_321 = arith.constant 16 : index
        %swap3A_322 = tpu.vector_load %arg9[%swap3A_320, %swap3A_321] {strides = array<i32>} : memref<200x64xf32, #tpu.memory_space<vmem>>, vector<16xf32>,
        tpu.vector_store %arg9[%swap3A_320, %swap3A_321], %mul3A_317 {strides = array<i32>} : memref<200x64xf32, #tpu.memory_space<vmem>>, vector<16xf32>,
        %add3A_323 = arith.constant 2 : i32
        %add3A_324 = arith.addi %mul3A_194, %add3A_323 : i32
        %get3A_325 = arith.index_cast %add3A_324 : i32 to index
        %get3A_326 = arith.constant 32 : index
        %get3A_327 = tpu.vector_load %arg9[%get3A_325, %get3A_326] {strides = array<i32>} : memref<200x64xf32, #tpu.memory_space<vmem>>, vector<16xf32>,
        %mul3A_328 = arith.constant 8.000000e+00 : f32
        %mul3A_329 = vector.broadcast %mul3A_328 : f32 to vector<16xf32>
        %mul3A_330 = arith.mulf %get3A_327, %mul3A_329 : vector<16xf32>
        %add3A_331 = arith.constant 2 : i32
        %add3A_332 = arith.addi %mul3A_194, %add3A_331 : i32
        %swap3A_333 = arith.index_cast %add3A_332 : i32 to index
        %swap3A_334 = arith.constant 32 : index
        %swap3A_335 = tpu.vector_load %arg9[%swap3A_333, %swap3A_334] {strides = array<i32>} : memref<200x64xf32, #tpu.memory_space<vmem>>, vector<16xf32>,
        tpu.vector_store %arg9[%swap3A_333, %swap3A_334], %mul3A_330 {strides = array<i32>} : memref<200x64xf32, #tpu.memory_space<vmem>>, vector<16xf32>,
        %add3A_336 = arith.constant 2 : i32
        %add3A_337 = arith.addi %mul3A_194, %add3A_336 : i32
        %get3A_338 = arith.index_cast %add3A_337 : i32 to index
        %get3A_339 = arith.constant 48 : index
        %get3A_340 = tpu.vector_load %arg9[%get3A_338, %get3A_339] {strides = array<i32>} : memref<200x64xf32, #tpu.memory_space<vmem>>, vector<16xf32>,
        %mul3A_341 = arith.constant 8.000000e+00 : f32
        %mul3A_342 = vector.broadcast %mul3A_341 : f32 to vector<16xf32>
        %mul3A_343 = arith.mulf %get3A_340, %mul3A_342 : vector<16xf32>
        %add3A_344 = arith.constant 2 : i32
        %add3A_345 = arith.addi %mul3A_194, %add3A_344 : i32
        %swap3A_346 = arith.index_cast %add3A_345 : i32 to index
        %swap3A_347 = arith.constant 48 : index
        %swap3A_348 = tpu.vector_load %arg9[%swap3A_346, %swap3A_347] {strides = array<i32>} : memref<200x64xf32, #tpu.memory_space<vmem>>, vector<16xf32>,
        tpu.vector_store %arg9[%swap3A_346, %swap3A_347], %mul3A_343 {strides = array<i32>} : memref<200x64xf32, #tpu.memory_space<vmem>>, vector<16xf32>,
        %add3A_349 = arith.constant 3 : i32
        %add3A_350 = arith.addi %mul3A_194, %add3A_349 : i32
        %get3A_351 = arith.index_cast %add3A_350 : i32 to index
        %get3A_352 = arith.constant 0 : index
        %get3A_353 = tpu.vector_load %arg9[%get3A_351, %get3A_352] {strides = array<i32>} : memref<200x64xf32, #tpu.memory_space<vmem>>, vector<16xf32>,
        %mul3A_354 = arith.constant 8.000000e+00 : f32
        %mul3A_355 = vector.broadcast %mul3A_354 : f32 to vector<16xf32>
        %mul3A_356 = arith.mulf %get3A_353, %mul3A_355 : vector<16xf32>
        %add3A_357 = arith.constant 3 : i32
        %add3A_358 = arith.addi %mul3A_194, %add3A_357 : i32
        %swap3A_359 = arith.index_cast %add3A_358 : i32 to index
        %swap3A_360 = arith.constant 0 : index
        %swap3A_361 = tpu.vector_load %arg9[%swap3A_359, %swap3A_360] {strides = array<i32>} : memref<200x64xf32, #tpu.memory_space<vmem>>, vector<16xf32>,
        tpu.vector_store %arg9[%swap3A_359, %swap3A_360], %mul3A_356 {strides = array<i32>} : memref<200x64xf32, #tpu.memory_space<vmem>>, vector<16xf32>,
        %add3A_362 = arith.constant 3 : i32
        %add3A_363 = arith.addi %mul3A_194, %add3A_362 : i32
        %get3A_364 = arith.index_cast %add3A_363 : i32 to index
        %get3A_365 = arith.constant 16 : index
        %get3A_366 = tpu.vector_load %arg9[%get3A_364, %get3A_365] {strides = array<i32>} : memref<200x64xf32, #tpu.memory_space<vmem>>, vector<16xf32>,
        %mul3A_367 = arith.constant 8.000000e+00 : f32
        %mul3A_368 = vector.broadcast %mul3A_367 : f32 to vector<16xf32>
        %mul3A_369 = arith.mulf %get3A_366, %mul3A_368 : vector<16xf32>
        %add3A_370 = arith.constant 3 : i32
        %add3A_371 = arith.addi %mul3A_194, %add3A_370 : i32
        %swap3A_372 = arith.index_cast %add3A_371 : i32 to index
        %swap3A_373 = arith.constant 16 : index
        %swap3A_374 = tpu.vector_load %arg9[%swap3A_372, %swap3A_373] {strides = array<i32>} : memref<200x64xf32, #tpu.memory_space<vmem>>, vector<16xf32>,
        tpu.vector_store %arg9[%swap3A_372, %swap3A_373], %mul3A_369 {strides = array<i32>} : memref<200x64xf32, #tpu.memory_space<vmem>>, vector<16xf32>,
        %add3A_375 = arith.constant 3 : i32
        %add3A_376 = arith.addi %mul3A_194, %add3A_375 : i32
        %get3A_377 = arith.index_cast %add3A_376 : i32 to index
        %get3A_378 = arith.constant 32 : index
        %get3A_379 = tpu.vector_load %arg9[%get3A_377, %get3A_378] {strides = array<i32>} : memref<200x64xf32, #tpu.memory_space<vmem>>, vector<16xf32>,
        %mul3A_380 = arith.constant 8.000000e+00 : f32
        %mul3A_381 = vector.broadcast %mul3A_380 : f32 to vector<16xf32>
        %mul3A_382 = arith.mulf %get3A_379, %mul3A_381 : vector<16xf32>
        %add3A_383 = arith.constant 3 : i32
        %add3A_384 = arith.addi %mul3A_194, %add3A_383 : i32
        %swap3A_385 = arith.index_cast %add3A_384 : i32 to index
        %swap3A_386 = arith.constant 32 : index
        %swap3A_387 = tpu.vector_load %arg9[%swap3A_385, %swap3A_386] {strides = array<i32>} : memref<200x64xf32, #tpu.memory_space<vmem>>, vector<16xf32>,
        tpu.vector_store %arg9[%swap3A_385, %swap3A_386], %mul3A_382 {strides = array<i32>} : memref<200x64xf32, #tpu.memory_space<vmem>>, vector<16xf32>,
        %add3A_388 = arith.constant 3 : i32
        %add3A_389 = arith.addi %mul3A_194, %add3A_388 : i32
        %get3A_390 = arith.index_cast %add3A_389 : i32 to index
        %get3A_391 = arith.constant 48 : index
        %get3A_392 = tpu.vector_load %arg9[%get3A_390, %get3A_391] {strides = array<i32>} : memref<200x64xf32, #tpu.memory_space<vmem>>, vector<16xf32>,
        %mul3A_393 = arith.constant 8.000000e+00 : f32
        %mul3A_394 = vector.broadcast %mul3A_393 : f32 to vector<16xf32>
        %mul3A_395 = arith.mulf %get3A_392, %mul3A_394 : vector<16xf32>
        %add3A_396 = arith.constant 3 : i32
        %add3A_397 = arith.addi %mul3A_194, %add3A_396 : i32
        %swap3A_398 = arith.index_cast %add3A_397 : i32 to index
        %swap3A_399 = arith.constant 48 : index
        %swap3A_400 = tpu.vector_load %arg9[%swap3A_398, %swap3A_399] {strides = array<i32>} : memref<200x64xf32, #tpu.memory_space<vmem>>, vector<16xf32>,
        tpu.vector_store %arg9[%swap3A_398, %swap3A_399], %mul3A_395 {strides = array<i32>} : memref<200x64xf32, #tpu.memory_space<vmem>>, vector<16xf32>,
      }
      %scan3A_182 = arith.constant 50 : i32
      %add3A_183 = arith.addi %mul3A_2, %add3A_162 : i32
      %dma_start3A_184 = arith.constant 0 : i32
      %dma_start3A_185 = arith.constant 0 : i32
      %dma_start3A_186 = tpu.memref_slice %arg4[%add3A_183, %dma_start3A_184, %dma_start3A_185] : memref<4096x200x128xf32, #tpu.memory_space<hbm>> -> memref<1x200x64xf32, #tpu.memory_space<hbm>>
      %dma_start3A_187 = tpu.memref_squeeze %dma_start3A_186 : memref<1x200x64xf32, #tpu.memory_space<hbm>> -> memref<200x64xf32, #tpu.memory_space<hbm>>
      %dma_start3A_188 = arith.constant 0 : i32
      %dma_start3A_189 = arith.constant 0 : i32
      %dma_start3A_190 = tpu.memref_slice %arg4[%add3A_183, %dma_start3A_188, %dma_start3A_189] : memref<4096x200x128xf32, #tpu.memory_space<hbm>> -> memref<1x200x64xf32, #tpu.memory_space<hbm>>
      %dma_start3A_191 = tpu.memref_squeeze %dma_start3A_190 : memref<1x200x64xf32, #tpu.memory_space<hbm>> -> memref<200x64xf32, #tpu.memory_space<hbm>>
      tpu.enqueue_dma source(%arg9 : memref<200x64xf32, #tpu.memory_space<vmem>>) target(%dma_start3A_191 : memref<200x64xf32, #tpu.memory_space<hbm>>) target_semaphore(%arg17 : memref<!tpu.dma_semaphore, #tpu.memory_space<semaphore_mem>>)
    }
    %scan3A_23 = arith.constant 32 : i32
    %add3A_24 = arith.constant 0 : i32
    %add3A_25 = arith.addi %mul3A_2, %add3A_24 : i32
    %dma_wait3A = arith.constant 0 : i32
    %dma_wait3A_26 = arith.constant 0 : i32
    %dma_wait3A_27 = tpu.memref_slice %arg4[%add3A_25, %dma_wait3A, %dma_wait3A_26] : memref<4096x200x128xf32, #tpu.memory_space<hbm>> -> memref<1x200x64xf32, #tpu.memory_space<hbm>>
    %dma_wait3A_28 = tpu.memref_squeeze %dma_wait3A_27 : memref<1x200x64xf32, #tpu.memory_space<hbm>> -> memref<200x64xf32, #tpu.memory_space<hbm>>
    %dma_wait3A_29 = arith.constant 0 : i32
    %dma_wait3A_30 = arith.constant 0 : i32
    %dma_wait3A_31 = tpu.memref_slice %arg4[%add3A_25, %dma_wait3A_29, %dma_wait3A_30] : memref<4096x200x128xf32, #tpu.memory_space<hbm>> -> memref<1x200x64xf32, #tpu.memory_space<hbm>>
    %dma_wait3A_32 = tpu.memref_squeeze %dma_wait3A_31 : memref<1x200x64xf32, #tpu.memory_space<hbm>> -> memref<200x64xf32, #tpu.memory_space<hbm>>
    tpu.wait_dma2 semaphore(%arg14 : memref<!tpu.dma_semaphore, #tpu.memory_space<semaphore_mem>>) src(%arg6 : memref<200x64xf32, #tpu.memory_space<vmem>>) dst(%dma_wait3A_32 : memref<200x64xf32, #tpu.memory_space<hbm>>)
    %add3A_33 = arith.constant 0 : i32
    %add3A_34 = arith.addi %mul3A_2, %add3A_33 : i32
    %dma_wait3A_35 = arith.constant 0 : i32
    %dma_wait3A_36 = arith.constant 0 : i32
    %dma_wait3A_37 = tpu.memref_slice %arg4[%add3A_34, %dma_wait3A_35, %dma_wait3A_36] : memref<4096x200x128xf32, #tpu.memory_space<hbm>> -> memref<1x200x64xf32, #tpu.memory_space<hbm>>
    %dma_wait3A_38 = tpu.memref_squeeze %dma_wait3A_37 : memref<1x200x64xf32, #tpu.memory_space<hbm>> -> memref<200x64xf32, #tpu.memory_space<hbm>>
    %dma_wait3A_39 = arith.constant 0 : i32
    %dma_wait3A_40 = arith.constant 0 : i32
    %dma_wait3A_41 = tpu.memref_slice %arg4[%add3A_34, %dma_wait3A_39, %dma_wait3A_40] : memref<4096x200x128xf32, #tpu.memory_space<hbm>> -> memref<1x200x64xf32, #tpu.memory_space<hbm>>
    %dma_wait3A_42 = tpu.memref_squeeze %dma_wait3A_41 : memref<1x200x64xf32, #tpu.memory_space<hbm>> -> memref<200x64xf32, #tpu.memory_space<hbm>>
    tpu.wait_dma2 semaphore(%arg15 : memref<!tpu.dma_semaphore, #tpu.memory_space<semaphore_mem>>) src(%arg7 : memref<200x64xf32, #tpu.memory_space<vmem>>) dst(%dma_wait3A_42 : memref<200x64xf32, #tpu.memory_space<hbm>>)
    %add3A_43 = arith.constant 0 : i32
    %add3A_44 = arith.addi %mul3A_2, %add3A_43 : i32
    %dma_wait3A_45 = arith.constant 0 : i32
    %dma_wait3A_46 = arith.constant 0 : i32
    %dma_wait3A_47 = tpu.memref_slice %arg4[%add3A_44, %dma_wait3A_45, %dma_wait3A_46] : memref<4096x200x128xf32, #tpu.memory_space<hbm>> -> memref<1x200x64xf32, #tpu.memory_space<hbm>>
    %dma_wait3A_48 = tpu.memref_squeeze %dma_wait3A_47 : memref<1x200x64xf32, #tpu.memory_space<hbm>> -> memref<200x64xf32, #tpu.memory_space<hbm>>
    %dma_wait3A_49 = arith.constant 0 : i32
    %dma_wait3A_50 = arith.constant 0 : i32
    %dma_wait3A_51 = tpu.memref_slice %arg4[%add3A_44, %dma_wait3A_49, %dma_wait3A_50] : memref<4096x200x128xf32, #tpu.memory_space<hbm>> -> memref<1x200x64xf32, #tpu.memory_space<hbm>>
    %dma_wait3A_52 = tpu.memref_squeeze %dma_wait3A_51 : memref<1x200x64xf32, #tpu.memory_space<hbm>> -> memref<200x64xf32, #tpu.memory_space<hbm>>
    tpu.wait_dma2 semaphore(%arg16 : memref<!tpu.dma_semaphore, #tpu.memory_space<semaphore_mem>>) src(%arg8 : memref<200x64xf32, #tpu.memory_space<vmem>>) dst(%dma_wait3A_52 : memref<200x64xf32, #tpu.memory_space<hbm>>)
    %add3A_53 = arith.constant 0 : i32
    %add3A_54 = arith.addi %mul3A_2, %add3A_53 : i32
    %dma_wait3A_55 = arith.constant 0 : i32
    %dma_wait3A_56 = arith.constant 0 : i32
    %dma_wait3A_57 = tpu.memref_slice %arg4[%add3A_54, %dma_wait3A_55, %dma_wait3A_56] : memref<4096x200x128xf32, #tpu.memory_space<hbm>> -> memref<1x200x64xf32, #tpu.memory_space<hbm>>
    %dma_wait3A_58 = tpu.memref_squeeze %dma_wait3A_57 : memref<1x200x64xf32, #tpu.memory_space<hbm>> -> memref<200x64xf32, #tpu.memory_space<hbm>>
    %dma_wait3A_59 = arith.constant 0 : i32
    %dma_wait3A_60 = arith.constant 0 : i32
    %dma_wait3A_61 = tpu.memref_slice %arg4[%add3A_54, %dma_wait3A_59, %dma_wait3A_60] : memref<4096x200x128xf32, #tpu.memory_space<hbm>> -> memref<1x200x64xf32, #tpu.memory_space<hbm>>
    %dma_wait3A_62 = tpu.memref_squeeze %dma_wait3A_61 : memref<1x200x64xf32, #tpu.memory_space<hbm>> -> memref<200x64xf32, #tpu.memory_space<hbm>>
    tpu.wait_dma2 semaphore(%arg17 : memref<!tpu.dma_semaphore, #tpu.memory_space<semaphore_mem>>) src(%arg9 : memref<200x64xf32, #tpu.memory_space<vmem>>) dst(%dma_wait3A_62 : memref<200x64xf32, #tpu.memory_space<hbm>>)
    return
  }
}

</mosaic_0001>

<sc_bundles>
// kernel: kernel.3.cloned.1.call-start
scs
__scs_entry_jumppad:
0x0: {  	(pc) =	sbr.rel $0x88, $3  }
0x1: {  	(tag) =	ssettag $0x0;
	lr =	simm.s32 $0x1  }
0x2: {  	[smem:$0x3F9F] =	sst lr;
	_ =	strace $0xD0000000  }
0x3: {  	_ = 	snop  }
0x4: {  	_ = 	snop  }
0x5: {  	_ = 	snop  }
0x6: {  	_ = 	snop  }
0x7: {  	_ = 	snop  }
__scs_overlays_trampoline_lowered:
0x8: {  	[smem:$0x3FAE] =	sst s0  }
0x9: {  	[smem:$0x3FAF] =	sst s1  }
0xa: {  	[smem:$0x3FB0] =	sst s2  }
0xb: {  	[smem:$0x3FB1] =	sst s3  }
0xc: {  	[smem:$0x3FB2] =	sst s4  }
0xd: {  	[smem:$0x3FB3] =	sst s5  }
0xe: {  	[smem:$0x3FB4] =	sst s6  }
0xf: {  	[smem:$0x3FB5] =	sst s7  }
0x10: {  	[smem:$0x3FB6] =	sst s8  }
0x11: {  	[smem:$0x3FB7] =	sst s9;
	s0 =	simm.s32 @!p0 $0x0  }
0x12: {  	s1 =	sld [smem:$0x3F9D];
	s0 =	simm.s32 @p0 $0x1  }
0x13: {  	[smem:$0x3FB8] =	sst s0;
	s0 =	simm.s32 @!p1 $0x0  }
0x14: {  	s2 =	sld [smem:$0x3F9C];
	s0 =	simm.s32 @p1 $0x1  }
0x15: {  	[smem:$0x3FB9] =	sst s0;
	s0 =	simm.s32 @!p2 $0x0  }
0x16: {  	s3 =	sld [smem:$0x3FDB];
	s0 =	simm.s32 @p2 $0x1  }
0x17: {  	s4 =	simm.s32 $0x1BF5;
	[smem:$0x3FBB] =	sst s0  }
0x18: {  	s0 =	sld [smem:$0x3F9E];
	_ =	swait.ge [sflag:s4], $0x0  }
0x19: {  	s7 =	sld [smem:$0x3F9F]  }
0x1a: {  	s8 =	sadd.s32 $0xFFFFE003, lr  }
0x1b: {  	s9 =	sadd.s32 $0xFFFFFEF7, lr;
	s5 =	simm.s32 $0xFFFFFFFF;
	p2 =	slt.u32 s8, $0xFFFFF086  }
0x1c: {  	p1 =	slt.u32 s9, $0xF7A;
	s5 =	simm.s32 @!p2 $0x0  }
0x1d: {  	s5 =	simm.s32 @p1 $0x1;
	p0 =	seq.s32 s7, s2  }
0x1e: {  	s7 =	smul.u32 @!p0 $0xF7A, s2;
	p2 =	seq.s32 @!p0 s5, $0x0  }
0x1f: {  	s9 =	smul.u32 $0xF7A, s1;
	s8 =	simm.s32 @!p0 $0x1BF5;
	p2 =	por !p2, p0  }
0x20: {  	[sflag:s8] =	ssyncset.s32 @!p0 $0xFFFFF086;
	s6 =	sadd.s32 @!p0 s3, s7;
	s7 =	simm.s32 @!p0 $0x108  }
0x21: {  	s3 =	sadd.s32 s3, s9;
	s6 =	sadd.s32 @!p0 $0x88, s6;
	s7 =	simm.s32 @p2 $0x1082  }
0x22: {  	[simem:s7], [sflag:s8] =	dma.local @!p0 [hbm:s6], $0xF7A  }
0x23: {  	s9 =	sor.u32 $0xD0000000, s2;
	s6 =	simm.s32 $0x108;
	_ =	swait.ge @!p0 [sflag:s8], $0x0  }
0x24: {  	s3 =	sadd.s32 $0x88, s3;
	s6 =	simm.s32 @!p1 $0x1082;
	[sflag:s4] =	ssyncset.s32 $0xFFFFF086  }
0x25: {  	[simem:s6], [sflag:s4] =	dma.local [hbm:s3], $0xF7A  }
0x26: {  	[smem:$0x3F9F] =	sst s1;
	(tag) =	ssettag s2;
	_ =	strace s9  }
0x27: {  	s1 =	sld [smem:$0x3FAF]  }
0x28: {  	s2 =	sld [smem:$0x3FB0]  }
0x29: {  	s4 =	sld [smem:$0x3FB2]  }
0x2a: {  	p0 =	seq.s32 s5, $0x0;
	s5 =	sld [smem:$0x3FB3]  }
0x2b: {  	s6 =	sld [smem:$0x3FB4]  }
0x2c: {  	s7 =	sld [smem:$0x3FB5]  }
0x2d: {  	s3 =	simm.s32 $0x108;
	s8 =	sld [smem:$0x3FB6]  }
0x2e: {  	s3 =	simm.s32 @!p0 $0x1082;
	s9 =	sld [smem:$0x3FB7]  }
0x2f: {  	lr =	sadd.s32 s0, s3;
	s0 =	sld [smem:$0x3FAE]  }
0x30: {  	s3 =	sld [smem:$0x3FB1]  }
0x31: {  	[smem:$0x3FBA] =	sst s10  }
0x32: {  	s10 =	sld [smem:$0x3FB8];
	_ =	sdelay $0x3  }
0x33: {  	p0 =	seq.s32 s10, $0x1;
	s10 =	sld [smem:$0x3FBA];
	_ =	sdelay $0x3  }
0x34: {  	[smem:$0x3FBA] =	sst s10  }
0x35: {  	s10 =	sld [smem:$0x3FB9];
	_ =	sdelay $0x3  }
0x36: {  	p1 =	seq.s32 s10, $0x1;
	s10 =	sld [smem:$0x3FBA];
	_ =	sdelay $0x3  }
0x37: {  	[smem:$0x3FBA] =	sst s10  }
0x38: {  	s10 =	sld [smem:$0x3FBB]  }
0x39: {  	_ = 	snop;
	(pc) =	sbr.ind lr, $3  }
0x3a: {  	_ = 	snop  }
0x3b: {  	_ = 	snop  }
0x3c: {  	p2 =	seq.s32 s10, $0x1;
	s10 =	sld [smem:$0x3FBA]  }
0x3d: {  	_ =	shalt  }
0x3e: {  	_ =	shalt  }
0x3f: {  	_ =	shalt  }
0x40: {  	_ =	shalt  }
0x41: {  	_ =	shalt  }
0x42: {  	_ =	shalt  }
0x43: {  	_ =	shalt  }
0x44: {  	_ =	shalt  }
0x45: {  	_ =	shalt  }
0x46: {  	_ =	shalt  }
0x47: {  	_ =	shalt  }
0x48: {  	_ =	shalt  }
0x49: {  	_ =	shalt  }
0x4a: {  	_ =	shalt  }
0x4b: {  	_ =	shalt  }
0x4c: {  	_ =	shalt  }
0x4d: {  	_ =	shalt  }
0x4e: {  	_ =	shalt  }
0x4f: {  	_ =	shalt  }
0x50: {  	_ =	shalt  }
0x51: {  	_ =	shalt  }
0x52: {  	_ =	shalt  }
0x53: {  	_ =	shalt  }
0x54: {  	_ =	shalt  }
0x55: {  	_ =	shalt  }
0x56: {  	_ =	shalt  }
0x57: {  	_ =	shalt  }
0x58: {  	_ =	shalt  }
0x59: {  	_ =	shalt  }
0x5a: {  	_ =	shalt  }
0x5b: {  	_ =	shalt  }
0x5c: {  	_ =	shalt  }
0x5d: {  	_ =	shalt  }
0x5e: {  	_ =	shalt  }
0x5f: {  	_ =	shalt  }
0x60: {  	_ =	shalt  }
0x61: {  	_ =	shalt  }
0x62: {  	_ =	shalt  }
0x63: {  	_ =	shalt  }
0x64: {  	_ =	shalt  }
0x65: {  	_ =	shalt  }
0x66: {  	_ =	shalt  }
0x67: {  	_ =	shalt  }
0x68: {  	_ =	shalt  }
0x69: {  	_ =	shalt  }
0x6a: {  	_ =	shalt  }
0x6b: {  	_ =	shalt  }
0x6c: {  	_ =	shalt  }
0x6d: {  	_ =	shalt  }
0x6e: {  	_ =	shalt  }
0x6f: {  	_ =	shalt  }
0x70: {  	_ =	shalt  }
0x71: {  	_ =	shalt  }
0x72: {  	_ =	shalt  }
0x73: {  	_ =	shalt  }
0x74: {  	_ =	shalt  }
0x75: {  	_ =	shalt  }
0x76: {  	_ =	shalt  }
0x77: {  	_ =	shalt  }
0x78: {  	_ =	shalt  }
0x79: {  	_ =	shalt  }
0x7a: {  	_ =	shalt  }
0x7b: {  	_ =	shalt  }
0x7c: {  	_ =	shalt  }
0x7d: {  	_ =	shalt  }
0x7e: {  	_ =	shalt  }
0x7f: {  	_ =	shalt  }
0x80: {  	_ =	shalt  }
0x81: {  	_ =	shalt  }
0x82: {  	_ =	shalt  }
0x83: {  	_ =	shalt  }
0x84: {  	_ =	shalt  }
0x85: {  	_ =	shalt  }
0x86: {  	_ =	shalt  }
0x87: {  	_ =	shalt  }
.Lfunc_end0:
.L_simem_size_0:
called_computation.1_lowered:
.L_overlay_start_0:
0x88: {  	s2 =	sld [smem:$0x3FD9]  }
0x89: {  	s3 =	sld [smem:$0x3FFE];
	_ =	sdelay $0x1  }
0x8a: {  	s1 =	srdreg.scid  }
0x8b: {  	s0 =	sand.u32 $0x1, s1  }
0x8c: {  	s17 =	sshll.u32 s0, $0xA;
	s2 =	sadd.s32 s3, s2  }
0x8d: {  	s2 =	sadd.s32 s2, s17  }
0x8e: {  	[smem:$0x3FC6] =	sst s2  }
0x8f: {  	_ = 	snop  }
0x90: {  	s2 =	sld [smem:$0x3FD0];
	(tm) =	ssettm $0x1  }
0x91: {  	s18 =	sld [smem:$0x3FFB];
	_ =	sdelay $0x3  }
0x92: {  	_ =	strace s18  }
0x93: {  	s3 =	sld [smem:$0x3FFC];
	_ =	sdelay $0x3  }
0x94: {  	_ =	strace s3  }
0x95: {  	s3 =	sld [smem:$0x3FFD];
	_ =	sdelay $0x3  }
0x96: {  	_ =	strace s3  }
0x97: {  	_ =	strace $0x8FFFFFFF  }
0x98: {  	s19 =	sld [smem:$0x3FDB];
	_ =	sdelay $0x1  }
0x99: {  	s4 =	simm.s32 $_scs_section_size  }
0x9a: {  	s5 =	simm.s32 $_size__tile_overlayer_lowered;
	s6 =	simm.s32 $_tile_overlayer_lowered  }
0x9b: {  	s22 =	simm.s32 $0x1BFF;
	s21 =	sshll.u32 s6, $0x1;
	s3 =	sadd.s32 s4, s19  }
0x9c: {  	s7 =	simm.s32 $0x0;
	s20 =	sshll.u32 s5, $0x1;
	s5 =	sadd.s32 s21, s3  }
0x9d: {  	[timem:s7], [sflag:s22] =	dma.local [hbm:s5], s20  }
0x9e: {  	_ =	swait.ge [sflag:s22], s20  }
0x9f: {  	s4 =	ssub.s32 $0x0, s20;
	[sflag:s22] =	ssyncset.done $0x0  }
0xa0: {  	[sflag:s22] =	ssyncadd.s32 s4;
	_ =	sdelay $0x1  }
0xa1: {  	s23 =	simm.s32 $0x1B8B  }
0xa2: {  	_ =	swait.ge [sflag:s23], $0x1  }
0xa3: {  	[sflag:s23] =	ssyncset.done $0x0  }
0xa4: {  	s25 =	simm.s32 $0x1B8E;
	s24 =	sld [smem:$0x3FFE];
	[sflag:s23] =	ssyncadd.s32 $0xFFFFFFFF  }
0xa5: {  	s26 =	simm.s32 $execute0_lowered;
	[smem:$0x3FD2] =	sst s25  }
0xa6: {  	s5 =	sshll.u32 s26, $0x1;
	_ =	strace $0x80000046;
	[dreg:$0x1] =	wrdreg $0xFFFFFFFF  }
0xa7: {  	s28 =	simm.s32 $_size_execute0_lowered;
	s3 =	sadd.s32 s3, s5;
	[dreg:$0x0] =	wrdreg $0x0  }
0xa8: {  	s5 =	sshll.u32 s28, $0x1;
	[dreg:$0x2] =	wrdreg s3  }
0xa9: {  	[dreg:$0x3] =	wrdreg s5  }
0xaa: {  	[dreg:$0x4] =	wrdreg $0xC0  }
0xab: {  	_ =	task [dreg:s7], $0x5FFFF  }
0xac: {  	[dreg:$0x1] =	wrdreg $0xFFFFFFFF  }
0xad: {  	[dreg:$0x0] =	wrdreg $0x60  }
0xae: {  	[dreg:$0x2] =	wrdreg s2  }
0xaf: {  	[dreg:$0x3] =	wrdreg s24  }
0xb0: {  	[dreg:$0x4] =	wrdreg $0x9  }
0xb1: {  	_ =	task.clear_ibuf [dreg:s7], $0x5FFFF;
	_ =	strace $0x90000046  }
0xb2: {  	s29 =	simm.s32 $0x9;
	_ =	strace $0x80000048  }
0xb3: {  	_ =	swait.ge [sflag:s29], $0x1  }
0xb4: {  	[sflag:s29] =	ssyncadd.s32 $0xFFFFFFFF  }
0xb5: {  	_ =	strace $0x90000048  }
0xb6: {  	_ =	sfence  }
0xb7: {  	s30 =	sld [smem:$0x0];
	_ =	sdelay $0x2  }
0xb8: {  	s31 =	sshll.u32 s1, $0xD;
	s1 =	sshrl.u32 s1, $0x2  }
0xb9: {  	s3 =	sand.u32 $0x4000, s31;
	s1 =	sadd.s32 s1, s30  }
0xba: {  	s0 =	sor.u32 s3, s0;
	s1 =	sshll.u32 s1, $0x11  }
0xbb: {  	s0 =	sor.u32 s1, s0  }
0xbc: {  	s0 =	sadd.s32 $0x8F2B, s0  }
0xbd: {  	[sflag:s0] =	ssyncadd.remote.s32 $0x1  }
0xbe: {  	_ =	sfence.sel $0xFFFF  }
0xbf: {  	[dreg:$0x0] =	wrdreg $0xFFFFFFFF;
	(pc) =	sbr.abs _section_cstart, $3  }
0xc0: {  	[dreg:$0x1] =	wrdreg $0xFFFFFFFF  }
0xc1: {  	_ =	task.clear_ibuf [dreg:s7], $0x2FFFF;
	_ =	strace $0x9FFFFFFF  }
0xc2: {  	(tm) =	ssettm $0x7FFFFFFF  }
0xc3: {  	_ =	shalt  }
tec
execute0_lowered:
.L_overlay_start_1:
0x0: {  	(tag) =	ssettag $0x1  }
0x1: {  	s0 =	rddreg [dreg:$0x0]  }
0x2: {  	s1 =	rddreg [dreg:$0x1];
	s3 =	srdreg.scid  }
0x3: {  	s4 =	stileid.u32;
	s2 =	simm.s32 $0x0;
	s9 =	simm.s32 $0xC8  }
0x4: {  	s10 =	simm.s32 $0x6400;
	s11 =	simm.s32 $0x9600;
	s13 =	simm.s32 $0xC800  }
0x5: {  	s14 =	simm.s32 $0xFA00;
	s15 =	simm.s32 $0x1;
	s16 =	simm.s32 $0x40  }
0x6: {  	s17 =	simm.s32 $0x80;
	s18 =	simm.s32 $0x2;
	s19 =	simm.s32 $0x3  }
0x7: {  	s20 =	simm.s32 $0x4;
	s21 =	simm.s32 $0x5;
	s22 =	simm.s32 $0x6  }
0x8: {  	s23 =	simm.s32 $0x7;
	s24 =	simm.s32 $0x8;
	s25 =	simm.s32 $0x0  }
0x9: {  	s3 =	sand.u32 $0x1, s3;
	s4 =	sshll.u32 s4, $0x1;
	[smem:$0x7FF] =	sst s2  }
0xa: {  	s5 =	ssub.s32 $0x2, s3;
	s6 =	sor.u32 s3, s4;
	_ =	strace $0x80000047  }
0xb: {  	s3 =	sadd.s32 $0xF42E00, s1;
	s7 =	sshrl.u32 s5, $0x1;
	s8 =	smul.u32 $0xC80, s6  }
0xc: {  	s4 =	sadd.s32 $0xA00, s1;
	s31 =	ssub.s32 s5, s7;
	s5 =	sshll.u32 s6, $0x7  }
0xd: {  	s6 =	sadd.s32 s0, s8;
	s7 =	smax.u32 s31, $0x1;
	s8 =	simm.s32 $0x9  }
.LBB2_1:
0xe: {  	[tilespmem:s2], [sflag:$0x9] =	stream.linear.gather [hbm4b:s6+s2], $0x6400, $0x38;
	[tilespmem:$0x12C00] =	vst v63  }
0xf: {  	_ =	swait.ge [sflag:s8], $0x6400  }
0x10: {  	[sflag:s8] =	ssyncset.done $0x0  }
0x11: {  	[sflag:s8] =	ssyncadd.s32 $0xFFFF9C00  }
0x12: {  	[tilespmem:s10], [sflag:$0x1] =	stream.indirect.gather [hbm4b:s3+s9], $0x40, s2, s9, $0xb8;
	[tilespmem:$0x12C00] =	vst v63  }
0x13: {  	_ = 	snop  }
0x14: {  	[tilespmem:s11], [sflag:$0x2] =	stream.indirect.gather [hbm4b:s3+s9], $0x40, s9, s9, $0xb8;
	[tilespmem:$0x12C00] =	vst v63  }
0x15: {  	s0 =	simm.s32 $0x190;
	s26 =	simm.s32 $0x0  }
0x16: {  	[tilespmem:s13], [sflag:$0x3] =	stream.indirect.gather [hbm4b:s3+s9], $0x40, s0, s9, $0xb8;
	[tilespmem:$0x12C00] =	vst v63  }
.LBB2_2:
0x17: {  	p0 =	seq.s32 s26, $0x0  }
0x18: {  	s28 =	sshllo.u32 s26, $0x2;
	s0 =	simm.s32 @!p0 $0x8  }
0x19: {  	s1 =	smul.u32 $0x320, s28;
	_ =	swait.ge @!p0 [sflag:s0], $0x3200  }
0x1a: {  	[sflag:s0] =	ssyncset.done @!p0 $0x0  }
0x1b: {  	s31 =	sshra.s32 s1, $0x2;
	[sflag:s0] =	ssyncadd.s32 @!p0 $0xFFFFCE00  }
0x1c: {  	[tilespmem:s14], [sflag:$0x4] =	stream.indirect.gather [hbm4b:s3+s9], $0x40, s31, s9, $0xb8;
	[tilespmem:$0x12C00] =	vst v63  }
0x1d: {  	_ =	swait.ge [sflag:s15], $0x3200  }
0x1e: {  	[sflag:s15] =	ssyncset.done $0x0  }
0x1f: {  	s30 =	simm.s32 $0x0;
	[sflag:s15] =	ssyncadd.s32 $0xFFFFCE00  }
0x20: {  	v0 =	vld [tilespmem:s30+$0x6400]  }
0x21: {  	v1 =	vld [tilespmem:s30+$0x6410]  }
0x22: {  	v2 =	vld [tilespmem:s30+$0x6420]  }
0x23: {  	v3 =	vld [tilespmem:s30+$0x6430]  }
0x24: {  	v4 =	vld [tilespmem:s30+$0x6440]  }
0x25: {  	v5 =	vld [tilespmem:s30+$0x6450];
	v0 =	vmul.f32 $8.000000000e+00, v0  }
0x26: {  	v6 =	vld [tilespmem:s30+$0x6460];
	v1 =	vmul.f32 $8.000000000e+00, v1  }
0x27: {  	v7 =	vld [tilespmem:s30+$0x6470];
	[tilespmem:s30+$0x6400] =	vst v0;
	v0 =	vmul.f32 $8.000000000e+00, v2  }
0x28: {  	v8 =	vld [tilespmem:s30+$0x6480];
	[tilespmem:s30+$0x6410] =	vst v1;
	v1 =	vmul.f32 $8.000000000e+00, v3  }
0x29: {  	v9 =	vld [tilespmem:s30+$0x6490];
	[tilespmem:s30+$0x6420] =	vst v0;
	v0 =	vmul.f32 $8.000000000e+00, v4  }
0x2a: {  	v2 =	vmul.f32 $8.000000000e+00, v5;
	[tilespmem:s30+$0x6430] =	vst v1;
	v1 =	vld [tilespmem:s30+$0x64A0]  }
0x2b: {  	v3 =	vmul.f32 $8.000000000e+00, v6;
	[tilespmem:s30+$0x6440] =	vst v0;
	v0 =	vld [tilespmem:s30+$0x64B0]  }
0x2c: {  	[tilespmem:s30+$0x6450] =	vst v2;
	v2 =	vld [tilespmem:s30+$0x64C0];
	v4 =	vmul.f32 $8.000000000e+00, v7  }
0x2d: {  	v6 =	vmul.f32 $8.000000000e+00, v8;
	[tilespmem:s30+$0x6460] =	vst v3;
	v3 =	vld [tilespmem:s30+$0x64D0]  }
0x2e: {  	s29 =	sshll.u32 s26, $0x2;
	s0 =	simm.s32 $0x400;
	v5 =	vmul.f32 $8.000000000e+00, v9;
	[tilespmem:s30+$0x6470] =	vst v4;
	v4 =	vld [tilespmem:s30+$0x64E0]  }
.LBB2_3:
0x2f: {  	s1 =	sshra.s32 s0, $0x2;
	p0 =	sne.s32 s0, $0xC400;
	[tilespmem:s30+$0x6480] =	vst v6;
	v1 =	vmul.f32 $8.000000000e+00, v1;
	v6 =	vld [tilespmem:s30+$0x64F0]  }
0x30: {  	v7 =	vld [tilespmem:s1+$0x6400];
	[tilespmem:s30+$0x6490] =	vst v5;
	v0 =	vmul.f32 $8.000000000e+00, v0  }
0x31: {  	v5 =	vld [tilespmem:s1+$0x6410];
	[tilespmem:s30+$0x64A0] =	vst v1;
	v1 =	vmul.f32 $8.000000000e+00, v2  }
0x32: {  	v2 =	vld [tilespmem:s1+$0x6420];
	[tilespmem:s30+$0x64B0] =	vst v0;
	v0 =	vmul.f32 $8.000000000e+00, v3  }
0x33: {  	v3 =	vld [tilespmem:s1+$0x6430];
	[tilespmem:s30+$0x64C0] =	vst v1;
	v1 =	vmul.f32 $8.000000000e+00, v4  }
0x34: {  	v4 =	vld [tilespmem:s1+$0x6440];
	[tilespmem:s30+$0x64D0] =	vst v0;
	v0 =	vmul.f32 $8.000000000e+00, v6  }
0x35: {  	v6 =	vmul.f32 $8.000000000e+00, v7;
	v7 =	vld [tilespmem:s1+$0x6450];
	[tilespmem:s30+$0x64E0] =	vst v1  }
0x36: {  	v1 =	vmul.f32 $8.000000000e+00, v5;
	v5 =	vld [tilespmem:s1+$0x6460];
	[tilespmem:s30+$0x64F0] =	vst v0;
	s30 =	smov.u32 s1  }
0x37: {  	[tilespmem:s30+$0x6400] =	vst v6;
	v0 =	vmul.f32 $8.000000000e+00, v2;
	v2 =	vld [tilespmem:s30+$0x6470]  }
0x38: {  	[tilespmem:s30+$0x6410] =	vst v1;
	v1 =	vmul.f32 $8.000000000e+00, v3;
	v3 =	vld [tilespmem:s30+$0x6480]  }
0x39: {  	[tilespmem:s30+$0x6420] =	vst v0;
	v0 =	vmul.f32 $8.000000000e+00, v4;
	v4 =	vld [tilespmem:s30+$0x6490]  }
.Ltmp0:
0x3a: {  	[tilespmem:s30+$0x6430] =	vst v1;
	v6 =	vmul.f32 $8.000000000e+00, v7;
	v1 =	vld [tilespmem:s30+$0x64A0];
	(pc) =	sbr.rel @p0 .LBB2_3-.Ltmp0, $4  }
0x3b: {  	[tilespmem:s30+$0x6440] =	vst v0;
	v5 =	vmul.f32 $8.000000000e+00, v5;
	v0 =	vld [tilespmem:s30+$0x64B0]  }
0x3c: {  	[tilespmem:s30+$0x6450] =	vst v6;
	v7 =	vmul.f32 $8.000000000e+00, v2;
	v2 =	vld [tilespmem:s30+$0x64C0]  }
0x3d: {  	[tilespmem:s30+$0x6460] =	vst v5;
	v6 =	vmul.f32 $8.000000000e+00, v3;
	v3 =	vld [tilespmem:s30+$0x64D0]  }
0x3e: {  	s0 =	sadd.s32 $0x400, s0;
	[tilespmem:s30+$0x6470] =	vst v7;
	v5 =	vmul.f32 $8.000000000e+00, v4;
	v4 =	vld [tilespmem:s30+$0x64E0]  }
0x3f: {  	[tilespmem:s30+$0x6480] =	vst v6;
	v1 =	vmul.f32 $8.000000000e+00, v1;
	v6 =	vld [tilespmem:s30+$0x64F0]  }
0x40: {  	[tilespmem:s30+$0x6490] =	vst v5;
	v0 =	vmul.f32 $8.000000000e+00, v0  }
0x41: {  	[tilespmem:s30+$0x64A0] =	vst v1;
	v1 =	vmul.f32 $8.000000000e+00, v2  }
0x42: {  	[tilespmem:s30+$0x64B0] =	vst v0;
	v0 =	vmul.f32 $8.000000000e+00, v3  }
0x43: {  	s0 =	sadd.s32 s5, s29;
	[tilespmem:s30+$0x64C0] =	vst v1;
	v1 =	vmul.f32 $8.000000000e+00, v4  }
0x44: {  	s0 =	smul.u32 $0xC80, s0;
	[tilespmem:s30+$0x64D0] =	vst v0;
	v0 =	vmul.f32 $8.000000000e+00, v6  }
0x45: {  	[tilespmem:s30+$0x64E0] =	vst v1  }
0x46: {  	p0 =	seq.s32 s26, $0x1F;
	s0 =	sadd.s32 s4, s0;
	[tilespmem:s30+$0x64F0] =	vst v0  }
0x47: {  	[hbm4b:s0+s16] =	stream.strided.scatter [tilespmem:s10], [sflag:$0x5], $0x3200, s17, s16, $0x38;
	[tilespmem:$0x12C00] =	vst v63  }
0x48: {  	s1 =	smul.u32 @!p0 $0xC80, s26;
	s0 =	simm.s32 @!p0 $0x5  }
0x49: {  	_ =	swait.ge @!p0 [sflag:s0], $0x3200  }
0x4a: {  	s31 =	simm.s32 @!p0 $0x6400;
	s30 =	sshra.s32 @!p0 s1, $0x2;
	[sflag:s0] =	ssyncset.done @!p0 $0x0  }
0x4b: {  	s1 =	simm.s32 @!p0 $0xC8;
	[sflag:s0] =	ssyncadd.s32 @!p0 $0xFFFFCE00;
	s0 =	sadd.s32 @!p0 $0x320, s30  }
0x4c: {  	[tilespmem:s31], [sflag:$0x1] =	stream.indirect.gather @!p0 [hbm4b:s3+s1], $0x40, s0, s1, $0xb8;
	[tilespmem:$0x12C00] =	vst v63  }
0x4d: {  	_ =	swait.ge [sflag:s18], $0x3200  }
0x4e: {  	[sflag:s18] =	ssyncset.done $0x0  }
0x4f: {  	s31 =	simm.s32 $0x0;
	[sflag:s18] =	ssyncadd.s32 $0xFFFFCE00  }
0x50: {  	v0 =	vld [tilespmem:s31+$0x9600]  }
0x51: {  	v1 =	vld [tilespmem:s31+$0x9610]  }
0x52: {  	v2 =	vld [tilespmem:s31+$0x9620]  }
0x53: {  	v3 =	vld [tilespmem:s31+$0x9630]  }
0x54: {  	v4 =	vld [tilespmem:s31+$0x9640]  }
0x55: {  	v5 =	vld [tilespmem:s31+$0x9650];
	v0 =	vmul.f32 $8.000000000e+00, v0  }
0x56: {  	v6 =	vld [tilespmem:s31+$0x9660];
	v1 =	vmul.f32 $8.000000000e+00, v1  }
0x57: {  	v7 =	vld [tilespmem:s31+$0x9670];
	[tilespmem:s31+$0x9600] =	vst v0;
	v0 =	vmul.f32 $8.000000000e+00, v2  }
0x58: {  	v8 =	vld [tilespmem:s31+$0x9680];
	[tilespmem:s31+$0x9610] =	vst v1;
	v1 =	vmul.f32 $8.000000000e+00, v3  }
0x59: {  	v9 =	vld [tilespmem:s31+$0x9690];
	[tilespmem:s31+$0x9620] =	vst v0;
	v0 =	vmul.f32 $8.000000000e+00, v4  }
0x5a: {  	v2 =	vmul.f32 $8.000000000e+00, v5;
	[tilespmem:s31+$0x9630] =	vst v1;
	v1 =	vld [tilespmem:s31+$0x96A0]  }
0x5b: {  	v3 =	vmul.f32 $8.000000000e+00, v6;
	[tilespmem:s31+$0x9640] =	vst v0;
	v0 =	vld [tilespmem:s31+$0x96B0]  }
0x5c: {  	[tilespmem:s31+$0x9650] =	vst v2;
	v2 =	vld [tilespmem:s31+$0x96C0];
	v4 =	vmul.f32 $8.000000000e+00, v7  }
0x5d: {  	v6 =	vmul.f32 $8.000000000e+00, v8;
	[tilespmem:s31+$0x9660] =	vst v3;
	v3 =	vld [tilespmem:s31+$0x96D0]  }
0x5e: {  	s0 =	sor.u32 $0x1, s29;
	s1 =	simm.s32 $0x400;
	v5 =	vmul.f32 $8.000000000e+00, v9;
	[tilespmem:s31+$0x9670] =	vst v4;
	v4 =	vld [tilespmem:s31+$0x96E0]  }
.LBB2_5:
0x5f: {  	s12 =	sshra.s32 s1, $0x2;
	p1 =	sne.s32 s1, $0xC400;
	[tilespmem:s31+$0x9680] =	vst v6;
	v1 =	vmul.f32 $8.000000000e+00, v1;
	v6 =	vld [tilespmem:s31+$0x96F0]  }
0x60: {  	v7 =	vld [tilespmem:s12+$0x9600];
	[tilespmem:s31+$0x9690] =	vst v5;
	v0 =	vmul.f32 $8.000000000e+00, v0  }
0x61: {  	v5 =	vld [tilespmem:s12+$0x9610];
	[tilespmem:s31+$0x96A0] =	vst v1;
	v1 =	vmul.f32 $8.000000000e+00, v2  }
0x62: {  	v2 =	vld [tilespmem:s12+$0x9620];
	[tilespmem:s31+$0x96B0] =	vst v0;
	v0 =	vmul.f32 $8.000000000e+00, v3  }
0x63: {  	v3 =	vld [tilespmem:s12+$0x9630];
	[tilespmem:s31+$0x96C0] =	vst v1;
	v1 =	vmul.f32 $8.000000000e+00, v4  }
0x64: {  	v4 =	vld [tilespmem:s12+$0x9640];
	[tilespmem:s31+$0x96D0] =	vst v0;
	v0 =	vmul.f32 $8.000000000e+00, v6  }
0x65: {  	v6 =	vmul.f32 $8.000000000e+00, v7;
	v7 =	vld [tilespmem:s12+$0x9650];
	[tilespmem:s31+$0x96E0] =	vst v1  }
0x66: {  	v1 =	vmul.f32 $8.000000000e+00, v5;
	v5 =	vld [tilespmem:s12+$0x9660];
	[tilespmem:s31+$0x96F0] =	vst v0;
	s31 =	smov.u32 s12  }
0x67: {  	[tilespmem:s31+$0x9600] =	vst v6;
	v0 =	vmul.f32 $8.000000000e+00, v2;
	v2 =	vld [tilespmem:s31+$0x9670]  }
0x68: {  	[tilespmem:s31+$0x9610] =	vst v1;
	v1 =	vmul.f32 $8.000000000e+00, v3;
	v3 =	vld [tilespmem:s31+$0x9680]  }
0x69: {  	[tilespmem:s31+$0x9620] =	vst v0;
	v0 =	vmul.f32 $8.000000000e+00, v4;
	v4 =	vld [tilespmem:s31+$0x9690]  }
.Ltmp1:
0x6a: {  	[tilespmem:s31+$0x9630] =	vst v1;
	v6 =	vmul.f32 $8.000000000e+00, v7;
	v1 =	vld [tilespmem:s31+$0x96A0];
	(pc) =	sbr.rel @p1 .LBB2_5-.Ltmp1, $4  }
0x6b: {  	[tilespmem:s31+$0x9640] =	vst v0;
	v5 =	vmul.f32 $8.000000000e+00, v5;
	v0 =	vld [tilespmem:s31+$0x96B0]  }
0x6c: {  	[tilespmem:s31+$0x9650] =	vst v6;
	v7 =	vmul.f32 $8.000000000e+00, v2;
	v2 =	vld [tilespmem:s31+$0x96C0]  }
0x6d: {  	[tilespmem:s31+$0x9660] =	vst v5;
	v6 =	vmul.f32 $8.000000000e+00, v3;
	v3 =	vld [tilespmem:s31+$0x96D0]  }
0x6e: {  	s1 =	sadd.s32 $0x400, s1;
	[tilespmem:s31+$0x9670] =	vst v7;
	v5 =	vmul.f32 $8.000000000e+00, v4;
	v4 =	vld [tilespmem:s31+$0x96E0]  }
0x6f: {  	[tilespmem:s31+$0x9680] =	vst v6;
	v1 =	vmul.f32 $8.000000000e+00, v1;
	v6 =	vld [tilespmem:s31+$0x96F0]  }
0x70: {  	[tilespmem:s31+$0x9690] =	vst v5;
	v0 =	vmul.f32 $8.000000000e+00, v0  }
0x71: {  	[tilespmem:s31+$0x96A0] =	vst v1;
	v1 =	vmul.f32 $8.000000000e+00, v2  }
0x72: {  	[tilespmem:s31+$0x96B0] =	vst v0;
	v0 =	vmul.f32 $8.000000000e+00, v3  }
0x73: {  	s0 =	sadd.s32 s5, s0;
	[tilespmem:s31+$0x96C0] =	vst v1;
	v1 =	vmul.f32 $8.000000000e+00, v4  }
0x74: {  	s0 =	smul.u32 $0xC80, s0;
	[tilespmem:s31+$0x96D0] =	vst v0;
	v0 =	vmul.f32 $8.000000000e+00, v6  }
0x75: {  	[tilespmem:s31+$0x96E0] =	vst v1  }
0x76: {  	s0 =	sadd.s32 s4, s0;
	[tilespmem:s31+$0x96F0] =	vst v0  }
0x77: {  	[hbm4b:s0+s16] =	stream.strided.scatter [tilespmem:s11], [sflag:$0x6], $0x3200, s17, s16, $0x38;
	[tilespmem:$0x12C00] =	vst v63  }
0x78: {  	s0 =	simm.s32 @!p0 $0x6  }
0x79: {  	_ =	swait.ge @!p0 [sflag:s0], $0x3200  }
0x7a: {  	s1 =	simm.s32 @!p0 $0xC8;
	[sflag:s0] =	ssyncset.done @!p0 $0x0  }
0x7b: {  	s12 =	simm.s32 @!p0 $0x9600;
	[sflag:s0] =	ssyncadd.s32 @!p0 $0xFFFFCE00;
	s0 =	sadd.s32 @!p0 $0x3E8, s30  }
0x7c: {  	[tilespmem:s12], [sflag:$0x2] =	stream.indirect.gather @!p0 [hbm4b:s3+s1], $0x40, s0, s1, $0xb8;
	[tilespmem:$0x12C00] =	vst v63  }
0x7d: {  	_ =	swait.ge [sflag:s19], $0x3200  }
0x7e: {  	[sflag:s19] =	ssyncset.done $0x0  }
0x7f: {  	s31 =	simm.s32 $0x0;
	[sflag:s19] =	ssyncadd.s32 $0xFFFFCE00  }
0x80: {  	v0 =	vld [tilespmem:s31+$0xC800]  }
0x81: {  	v1 =	vld [tilespmem:s31+$0xC810]  }
0x82: {  	v2 =	vld [tilespmem:s31+$0xC820]  }
0x83: {  	v3 =	vld [tilespmem:s31+$0xC830]  }
0x84: {  	v4 =	vld [tilespmem:s31+$0xC840]  }
0x85: {  	v5 =	vld [tilespmem:s31+$0xC850];
	v0 =	vmul.f32 $8.000000000e+00, v0  }
0x86: {  	v6 =	vld [tilespmem:s31+$0xC860];
	v1 =	vmul.f32 $8.000000000e+00, v1  }
0x87: {  	v7 =	vld [tilespmem:s31+$0xC870];
	[tilespmem:s31+$0xC800] =	vst v0;
	v0 =	vmul.f32 $8.000000000e+00, v2  }
0x88: {  	v8 =	vld [tilespmem:s31+$0xC880];
	[tilespmem:s31+$0xC810] =	vst v1;
	v1 =	vmul.f32 $8.000000000e+00, v3  }
0x89: {  	v9 =	vld [tilespmem:s31+$0xC890];
	[tilespmem:s31+$0xC820] =	vst v0;
	v0 =	vmul.f32 $8.000000000e+00, v4  }
0x8a: {  	v2 =	vmul.f32 $8.000000000e+00, v5;
	[tilespmem:s31+$0xC830] =	vst v1;
	v1 =	vld [tilespmem:s31+$0xC8A0]  }
0x8b: {  	v3 =	vmul.f32 $8.000000000e+00, v6;
	[tilespmem:s31+$0xC840] =	vst v0;
	v0 =	vld [tilespmem:s31+$0xC8B0]  }
0x8c: {  	[tilespmem:s31+$0xC850] =	vst v2;
	v2 =	vld [tilespmem:s31+$0xC8C0];
	v4 =	vmul.f32 $8.000000000e+00, v7  }
0x8d: {  	v6 =	vmul.f32 $8.000000000e+00, v8;
	[tilespmem:s31+$0xC860] =	vst v3;
	v3 =	vld [tilespmem:s31+$0xC8D0]  }
0x8e: {  	s0 =	sor.u32 $0x2, s29;
	s1 =	simm.s32 $0x400;
	v5 =	vmul.f32 $8.000000000e+00, v9;
	[tilespmem:s31+$0xC870] =	vst v4;
	v4 =	vld [tilespmem:s31+$0xC8E0]  }
.LBB2_7:
0x8f: {  	s12 =	sshra.s32 s1, $0x2;
	p1 =	sne.s32 s1, $0xC400;
	[tilespmem:s31+$0xC880] =	vst v6;
	v1 =	vmul.f32 $8.000000000e+00, v1;
	v6 =	vld [tilespmem:s31+$0xC8F0]  }
0x90: {  	v7 =	vld [tilespmem:s12+$0xC800];
	[tilespmem:s31+$0xC890] =	vst v5;
	v0 =	vmul.f32 $8.000000000e+00, v0  }
0x91: {  	v5 =	vld [tilespmem:s12+$0xC810];
	[tilespmem:s31+$0xC8A0] =	vst v1;
	v1 =	vmul.f32 $8.000000000e+00, v2  }
0x92: {  	v2 =	vld [tilespmem:s12+$0xC820];
	[tilespmem:s31+$0xC8B0] =	vst v0;
	v0 =	vmul.f32 $8.000000000e+00, v3  }
0x93: {  	v3 =	vld [tilespmem:s12+$0xC830];
	[tilespmem:s31+$0xC8C0] =	vst v1;
	v1 =	vmul.f32 $8.000000000e+00, v4  }
0x94: {  	v4 =	vld [tilespmem:s12+$0xC840];
	[tilespmem:s31+$0xC8D0] =	vst v0;
	v0 =	vmul.f32 $8.000000000e+00, v6  }
0x95: {  	v6 =	vmul.f32 $8.000000000e+00, v7;
	v7 =	vld [tilespmem:s12+$0xC850];
	[tilespmem:s31+$0xC8E0] =	vst v1  }
0x96: {  	v1 =	vmul.f32 $8.000000000e+00, v5;
	v5 =	vld [tilespmem:s12+$0xC860];
	[tilespmem:s31+$0xC8F0] =	vst v0;
	s31 =	smov.u32 s12  }
0x97: {  	[tilespmem:s31+$0xC800] =	vst v6;
	v0 =	vmul.f32 $8.000000000e+00, v2;
	v2 =	vld [tilespmem:s31+$0xC870]  }
0x98: {  	[tilespmem:s31+$0xC810] =	vst v1;
	v1 =	vmul.f32 $8.000000000e+00, v3;
	v3 =	vld [tilespmem:s31+$0xC880]  }
0x99: {  	[tilespmem:s31+$0xC820] =	vst v0;
	v0 =	vmul.f32 $8.000000000e+00, v4;
	v4 =	vld [tilespmem:s31+$0xC890]  }
.Ltmp2:
0x9a: {  	[tilespmem:s31+$0xC830] =	vst v1;
	v6 =	vmul.f32 $8.000000000e+00, v7;
	v1 =	vld [tilespmem:s31+$0xC8A0];
	(pc) =	sbr.rel @p1 .LBB2_7-.Ltmp2, $4  }
0x9b: {  	[tilespmem:s31+$0xC840] =	vst v0;
	v5 =	vmul.f32 $8.000000000e+00, v5;
	v0 =	vld [tilespmem:s31+$0xC8B0]  }
0x9c: {  	[tilespmem:s31+$0xC850] =	vst v6;
	v7 =	vmul.f32 $8.000000000e+00, v2;
	v2 =	vld [tilespmem:s31+$0xC8C0]  }
0x9d: {  	[tilespmem:s31+$0xC860] =	vst v5;
	v6 =	vmul.f32 $8.000000000e+00, v3;
	v3 =	vld [tilespmem:s31+$0xC8D0]  }
0x9e: {  	s1 =	sadd.s32 $0x400, s1;
	[tilespmem:s31+$0xC870] =	vst v7;
	v5 =	vmul.f32 $8.000000000e+00, v4;
	v4 =	vld [tilespmem:s31+$0xC8E0]  }
0x9f: {  	[tilespmem:s31+$0xC880] =	vst v6;
	v1 =	vmul.f32 $8.000000000e+00, v1;
	v6 =	vld [tilespmem:s31+$0xC8F0]  }
0xa0: {  	[tilespmem:s31+$0xC890] =	vst v5;
	v0 =	vmul.f32 $8.000000000e+00, v0  }
0xa1: {  	[tilespmem:s31+$0xC8A0] =	vst v1;
	v1 =	vmul.f32 $8.000000000e+00, v2  }
0xa2: {  	[tilespmem:s31+$0xC8B0] =	vst v0;
	v0 =	vmul.f32 $8.000000000e+00, v3  }
0xa3: {  	s0 =	sadd.s32 s5, s0;
	[tilespmem:s31+$0xC8C0] =	vst v1;
	v1 =	vmul.f32 $8.000000000e+00, v4  }
0xa4: {  	s0 =	smul.u32 $0xC80, s0;
	[tilespmem:s31+$0xC8D0] =	vst v0;
	v0 =	vmul.f32 $8.000000000e+00, v6  }
0xa5: {  	[tilespmem:s31+$0xC8E0] =	vst v1  }
0xa6: {  	s0 =	sadd.s32 s4, s0;
	[tilespmem:s31+$0xC8F0] =	vst v0  }
0xa7: {  	[hbm4b:s0+s16] =	stream.strided.scatter [tilespmem:s13], [sflag:$0x7], $0x3200, s17, s16, $0x38;
	[tilespmem:$0x12C00] =	vst v63  }
0xa8: {  	s0 =	simm.s32 @!p0 $0x7  }
0xa9: {  	_ =	swait.ge @!p0 [sflag:s0], $0x3200  }
0xaa: {  	s1 =	simm.s32 @!p0 $0xC8;
	[sflag:s0] =	ssyncset.done @!p0 $0x0  }
0xab: {  	s12 =	simm.s32 @!p0 $0xC800;
	[sflag:s0] =	ssyncadd.s32 @!p0 $0xFFFFCE00;
	s0 =	sadd.s32 @!p0 $0x4B0, s30  }
0xac: {  	[tilespmem:s12], [sflag:$0x3] =	stream.indirect.gather @!p0 [hbm4b:s3+s1], $0x40, s0, s1, $0xb8;
	[tilespmem:$0x12C00] =	vst v63  }
0xad: {  	_ =	swait.ge [sflag:s20], $0x3200  }
0xae: {  	[sflag:s20] =	ssyncset.done $0x0  }
0xaf: {  	s29 =	simm.s32 $0x0;
	[sflag:s20] =	ssyncadd.s32 $0xFFFFCE00  }
0xb0: {  	v0 =	vld [tilespmem:s29+$0xFA00]  }
0xb1: {  	v1 =	vld [tilespmem:s29+$0xFA10]  }
0xb2: {  	v2 =	vld [tilespmem:s29+$0xFA20]  }
0xb3: {  	v3 =	vld [tilespmem:s29+$0xFA30]  }
0xb4: {  	v4 =	vld [tilespmem:s29+$0xFA40]  }
0xb5: {  	v5 =	vld [tilespmem:s29+$0xFA50];
	v0 =	vmul.f32 $8.000000000e+00, v0  }
0xb6: {  	v6 =	vld [tilespmem:s29+$0xFA60];
	v1 =	vmul.f32 $8.000000000e+00, v1  }
0xb7: {  	v7 =	vld [tilespmem:s29+$0xFA70];
	[tilespmem:s29+$0xFA00] =	vst v0;
	v0 =	vmul.f32 $8.000000000e+00, v2  }
0xb8: {  	v8 =	vld [tilespmem:s29+$0xFA80];
	[tilespmem:s29+$0xFA10] =	vst v1;
	v1 =	vmul.f32 $8.000000000e+00, v3  }
0xb9: {  	v9 =	vld [tilespmem:s29+$0xFA90];
	[tilespmem:s29+$0xFA20] =	vst v0;
	v0 =	vmul.f32 $8.000000000e+00, v4  }
0xba: {  	v2 =	vmul.f32 $8.000000000e+00, v5;
	[tilespmem:s29+$0xFA30] =	vst v1;
	v1 =	vld [tilespmem:s29+$0xFAA0]  }
0xbb: {  	v3 =	vmul.f32 $8.000000000e+00, v6;
	[tilespmem:s29+$0xFA40] =	vst v0;
	v0 =	vld [tilespmem:s29+$0xFAB0]  }
0xbc: {  	[tilespmem:s29+$0xFA50] =	vst v2;
	v2 =	vld [tilespmem:s29+$0xFAC0];
	v4 =	vmul.f32 $8.000000000e+00, v7  }
0xbd: {  	v6 =	vmul.f32 $8.000000000e+00, v8;
	[tilespmem:s29+$0xFA60] =	vst v3;
	v3 =	vld [tilespmem:s29+$0xFAD0]  }
0xbe: {  	s0 =	simm.s32 $0x400;
	v5 =	vmul.f32 $8.000000000e+00, v9;
	[tilespmem:s29+$0xFA70] =	vst v4;
	v4 =	vld [tilespmem:s29+$0xFAE0]  }
.LBB2_9:
0xbf: {  	s1 =	sshra.s32 s0, $0x2;
	p0 =	sne.s32 s0, $0xC400;
	[tilespmem:s29+$0xFA80] =	vst v6;
	v1 =	vmul.f32 $8.000000000e+00, v1;
	v6 =	vld [tilespmem:s29+$0xFAF0]  }
0xc0: {  	v7 =	vld [tilespmem:s1+$0xFA00];
	[tilespmem:s29+$0xFA90] =	vst v5;
	v0 =	vmul.f32 $8.000000000e+00, v0  }
0xc1: {  	v5 =	vld [tilespmem:s1+$0xFA10];
	[tilespmem:s29+$0xFAA0] =	vst v1;
	v1 =	vmul.f32 $8.000000000e+00, v2  }
0xc2: {  	v2 =	vld [tilespmem:s1+$0xFA20];
	[tilespmem:s29+$0xFAB0] =	vst v0;
	v0 =	vmul.f32 $8.000000000e+00, v3  }
0xc3: {  	v3 =	vld [tilespmem:s1+$0xFA30];
	[tilespmem:s29+$0xFAC0] =	vst v1;
	v1 =	vmul.f32 $8.000000000e+00, v4  }
0xc4: {  	v4 =	vld [tilespmem:s1+$0xFA40];
	[tilespmem:s29+$0xFAD0] =	vst v0;
	v0 =	vmul.f32 $8.000000000e+00, v6  }
0xc5: {  	v6 =	vmul.f32 $8.000000000e+00, v7;
	v7 =	vld [tilespmem:s1+$0xFA50];
	[tilespmem:s29+$0xFAE0] =	vst v1  }
0xc6: {  	v1 =	vmul.f32 $8.000000000e+00, v5;
	v5 =	vld [tilespmem:s1+$0xFA60];
	[tilespmem:s29+$0xFAF0] =	vst v0;
	s29 =	smov.u32 s1  }
0xc7: {  	[tilespmem:s29+$0xFA00] =	vst v6;
	v0 =	vmul.f32 $8.000000000e+00, v2;
	v2 =	vld [tilespmem:s29+$0xFA70]  }
0xc8: {  	[tilespmem:s29+$0xFA10] =	vst v1;
	v1 =	vmul.f32 $8.000000000e+00, v3;
	v3 =	vld [tilespmem:s29+$0xFA80]  }
0xc9: {  	[tilespmem:s29+$0xFA20] =	vst v0;
	v0 =	vmul.f32 $8.000000000e+00, v4;
	v4 =	vld [tilespmem:s29+$0xFA90]  }
.Ltmp3:
0xca: {  	[tilespmem:s29+$0xFA30] =	vst v1;
	v6 =	vmul.f32 $8.000000000e+00, v7;
	v1 =	vld [tilespmem:s29+$0xFAA0];
	(pc) =	sbr.rel @p0 .LBB2_9-.Ltmp3, $4  }
0xcb: {  	[tilespmem:s29+$0xFA40] =	vst v0;
	v5 =	vmul.f32 $8.000000000e+00, v5;
	v0 =	vld [tilespmem:s29+$0xFAB0]  }
0xcc: {  	[tilespmem:s29+$0xFA50] =	vst v6;
	v7 =	vmul.f32 $8.000000000e+00, v2;
	v2 =	vld [tilespmem:s29+$0xFAC0]  }
0xcd: {  	[tilespmem:s29+$0xFA60] =	vst v5;
	v6 =	vmul.f32 $8.000000000e+00, v3;
	v3 =	vld [tilespmem:s29+$0xFAD0]  }
0xce: {  	s0 =	sadd.s32 $0x400, s0;
	[tilespmem:s29+$0xFA70] =	vst v7;
	v5 =	vmul.f32 $8.000000000e+00, v4;
	v4 =	vld [tilespmem:s29+$0xFAE0]  }
0xcf: {  	[tilespmem:s29+$0xFA80] =	vst v6;
	v1 =	vmul.f32 $8.000000000e+00, v1;
	v59 =	vld [tilespmem:s29+$0xFAF0]  }
0xd0: {  	[tilespmem:s29+$0xFA90] =	vst v5;
	v0 =	vmul.f32 $8.000000000e+00, v0  }
0xd1: {  	s26 =	sadd.s32 $0x1, s26;
	[tilespmem:s29+$0xFAA0] =	vst v1;
	v60 =	vmul.f32 $8.000000000e+00, v2  }
0xd2: {  	p0 =	sne.s32 s26, $0x20;
	[tilespmem:s29+$0xFAB0] =	vst v0;
	v61 =	vmul.f32 $8.000000000e+00, v3  }
.Ltmp4:
0xd3: {  	s0 =	sadd.s32 s5, s28;
	[tilespmem:s29+$0xFAC0] =	vst v60;
	v62 =	vmul.f32 $8.000000000e+00, v4;
	(pc) =	sbr.rel @p0 .LBB2_2-.Ltmp4, $4  }
0xd4: {  	s0 =	smul.u32 $0xC80, s0;
	[tilespmem:s29+$0xFAD0] =	vst v61;
	v63 =	vmul.f32 $8.000000000e+00, v59  }
0xd5: {  	[tilespmem:s29+$0xFAE0] =	vst v62  }
0xd6: {  	s0 =	sadd.s32 s4, s0;
	[tilespmem:s29+$0xFAF0] =	vst v63  }
0xd7: {  	[hbm4b:s0+s16] =	stream.strided.scatter [tilespmem:s14], [sflag:$0x8], $0x3200, s17, s16, $0x38;
	[tilespmem:$0x12C00] =	vst v63  }
0xd8: {  	_ =	swait.ge [sflag:s21], $0x3200  }
0xd9: {  	[sflag:s21] =	ssyncset.done $0x0  }
0xda: {  	[sflag:s21] =	ssyncadd.s32 $0xFFFFCE00  }
0xdb: {  	_ =	swait.ge [sflag:s22], $0x3200  }
0xdc: {  	[sflag:s22] =	ssyncset.done $0x0  }
0xdd: {  	s25 =	sadd.s32 $0x1, s25;
	[sflag:s22] =	ssyncadd.s32 $0xFFFFCE00  }
0xde: {  	p0 =	sne.s32 s25, s7;
	_ =	swait.ge [sflag:s23], $0x3200  }
.Ltmp5:
0xdf: {  	[sflag:s23] =	ssyncset.done $0x0;
	(pc) =	sbr.rel @p0 .LBB2_1-.Ltmp5, $4  }
0xe0: {  	[sflag:s23] =	ssyncadd.s32 $0xFFFFCE00  }
0xe1: {  	_ =	swait.ge [sflag:s24], $0x3200  }
0xe2: {  	[sflag:s24] =	ssyncset.done $0x0  }
0xe3: {  	[sflag:s24] =	ssyncadd.s32 $0xFFFFCE00  }
0xe4: {  	_ =	sfence.sel $0x180000  }
0xe5: {  	[bflag:$0x0] =	sbarrier.arrive $0xFFFF  }
0xe6: {  	_ =	strace $0x90000047  }
0xe7: {  	s0 =	stileid.u32;
	[bflag:$0x2] =	sbarrier.arrive $0xFFFF  }
0xe8: {  	p0 =	sne.s32 s0, $0x0;
	s0 =	rddreg [dreg:$0x2]  }
0xe9: {  	s0 =	sadd.s32 @!p0 $0x100000, s0  }
0xea: {  	[sflag:s0] =	ssyncadd.tile.s32 @!p0 $0x1;
	_ =	shalt  }
.Lfunc_end2:
_tile_overlayer_lowered:
.L_overlay_start_2:
0xeb: {  	(tag) =	ssettag $0x2  }
0xec: {  	s0 =	rddreg [dreg:$0x0];
	s2 =	stileid.u32  }
0xed: {  	s1 =	rddreg [dreg:$0x1];
	p0 =	sne.s32 s2, $0x0  }
0xee: {  	s3 =	rddreg [dreg:$0x2];
	[bflag:$0x3] =	sbarrier.arrive $0xFFFF;
	s2 =	simm.s32 @!p0 $0x1C09  }
0xef: {  	[timem:s3], [sflag:s2] =	dma.local @!p0 [hbm:s0], s1  }
0xf0: {  	s0 =	simm.s32 @!p0 $0x9  }
0xf1: {  	_ =	swait.ge @!p0 [sflag:s0], s1  }
0xf2: {  	s1 =	ssub.s32 @!p0 $0x0, s1;
	[sflag:s0] =	ssyncset.done @!p0 $0x0  }
0xf3: {  	[sflag:s0] =	ssyncadd.s32 @!p0 s1  }
0xf4: {  	[bflag:$0x3] =	sbarrier.arrive $0xFFFF  }
0xf5: {  	_ =	shalt  }

// kernel: sparse-core-data-format-call.cloned.1.call-start
scs
called_computation_lowered:
.L_overlay_start_0:
0x0: {  	s2 =	sld [smem:$0x3FD9]  }
0x1: {  	s3 =	sld [smem:$0x3FFE];
	_ =	sdelay $0x1  }
0x2: {  	s1 =	srdreg.scid  }
0x3: {  	s0 =	sand.u32 $0x1, s1  }
0x4: {  	s18 =	sshll.u32 s0, $0xA;
	s2 =	sadd.s32 s3, s2  }
0x5: {  	s2 =	sadd.s32 s2, s18  }
0x6: {  	[smem:$0x3FC6] =	sst s2  }
0x7: {  	_ = 	snop  }
0x8: {  	s2 =	sld [smem:$0x3FD0];
	(tm) =	ssettm $0x1  }
0x9: {  	s19 =	sld [smem:$0x3FFB];
	_ =	sdelay $0x3  }
0xa: {  	_ =	strace s19  }
0xb: {  	s3 =	sld [smem:$0x3FFC];
	_ =	sdelay $0x3  }
0xc: {  	_ =	strace s3  }
0xd: {  	s3 =	sld [smem:$0x3FFD];
	_ =	sdelay $0x3  }
0xe: {  	_ =	strace s3  }
0xf: {  	_ =	strace $0x8FFFFFFF  }
0x10: {  	s20 =	sld [smem:$0x3FDB];
	_ =	sdelay $0x1  }
0x11: {  	s4 =	simm.s32 $_scs_section_size  }
0x12: {  	s5 =	simm.s32 $_size__tile_overlayer_lowered;
	s6 =	simm.s32 $_tile_overlayer_lowered  }
0x13: {  	s23 =	simm.s32 $0x1BFF;
	s22 =	sshll.u32 s6, $0x1;
	s3 =	sadd.s32 s4, s20  }
0x14: {  	s7 =	simm.s32 $0x0;
	s21 =	sshll.u32 s5, $0x1;
	s5 =	sadd.s32 s22, s3  }
0x15: {  	[timem:s7], [sflag:s23] =	dma.local [hbm:s5], s21  }
0x16: {  	_ =	swait.ge [sflag:s23], s21  }
0x17: {  	s4 =	ssub.s32 $0x0, s21;
	[sflag:s23] =	ssyncset.done $0x0  }
0x18: {  	[sflag:s23] =	ssyncadd.s32 s4;
	_ =	sdelay $0x1  }
0x19: {  	s24 =	simm.s32 $0x1B8B  }
0x1a: {  	_ =	swait.ge [sflag:s24], $0x1  }
0x1b: {  	[sflag:s24] =	ssyncset.done $0x0  }
0x1c: {  	s26 =	simm.s32 $0x1B8E;
	s25 =	sld [smem:$0x3FFE];
	[sflag:s24] =	ssyncadd.s32 $0xFFFFFFFF  }
0x1d: {  	s27 =	simm.s32 $execute0_lowered;
	[smem:$0x3FD2] =	sst s26  }
0x1e: {  	s5 =	sshll.u32 s27, $0x1;
	_ =	strace $0x80000049;
	[dreg:$0x1] =	wrdreg $0xFFFFFFFF  }
0x1f: {  	s28 =	simm.s32 $_size_execute0_lowered;
	s3 =	sadd.s32 s3, s5;
	[dreg:$0x0] =	wrdreg $0x0  }
0x20: {  	s5 =	sshll.u32 s28, $0x1;
	[dreg:$0x2] =	wrdreg s3  }
0x21: {  	[dreg:$0x3] =	wrdreg s5  }
0x22: {  	[dreg:$0x4] =	wrdreg $0xC0  }
0x23: {  	_ =	task [dreg:s7], $0x5FFFF  }
0x24: {  	[dreg:$0x1] =	wrdreg $0xFFFFFFFF  }
0x25: {  	[dreg:$0x0] =	wrdreg $0x60  }
0x26: {  	[dreg:$0x2] =	wrdreg s25  }
0x27: {  	[dreg:$0x3] =	wrdreg s2  }
0x28: {  	[dreg:$0x4] =	wrdreg $0x9  }
0x29: {  	_ =	task.clear_ibuf [dreg:s7], $0x5FFFF;
	_ =	strace $0x90000049  }
0x2a: {  	s29 =	simm.s32 $0x9;
	_ =	strace $0x8000004B  }
0x2b: {  	_ =	swait.ge [sflag:s29], $0x1  }
0x2c: {  	[sflag:s29] =	ssyncadd.s32 $0xFFFFFFFF  }
0x2d: {  	_ =	strace $0x9000004B  }
0x2e: {  	_ =	sfence  }
0x2f: {  	s30 =	sld [smem:$0x0];
	_ =	sdelay $0x2  }
0x30: {  	s31 =	sshll.u32 s1, $0xD;
	s1 =	sshrl.u32 s1, $0x2  }
0x31: {  	s3 =	sand.u32 $0x4000, s31;
	s1 =	sadd.s32 s1, s30  }
0x32: {  	s0 =	sor.u32 s3, s0;
	s1 =	sshll.u32 s1, $0x11  }
0x33: {  	s0 =	sor.u32 s1, s0  }
0x34: {  	s0 =	sadd.s32 $0x8F2B, s0  }
0x35: {  	[sflag:s0] =	ssyncadd.remote.s32 $0x1  }
0x36: {  	_ =	sfence.sel $0xFFFF  }
0x37: {  	[dreg:$0x0] =	wrdreg $0xFFFFFFFF;
	(pc) =	sbr.abs _section_cstart, $3  }
0x38: {  	[dreg:$0x1] =	wrdreg $0xFFFFFFFF  }
0x39: {  	_ =	task.clear_ibuf [dreg:s7], $0x2FFFF;
	_ =	strace $0x9FFFFFFF  }
0x3a: {  	(tm) =	ssettm $0x7FFFFFFF  }
0x3b: {  	_ =	shalt  }
tec
execute0_lowered:
.L_overlay_start_1:
0x0: {  	(tag) =	ssettag $0x1  }
0x1: {  	s0 =	srdreg.scid  }
0x2: {  	s1 =	sshll.u32 s0, $0x4  }
0x3: {  	s0 =	stileid.u32;
	s1 =	sand.u32 $0x10, s1  }
0x4: {  	s1 =	sor.u32 s0, s1  }
0x5: {  	s6 =	rddreg [dreg:$0x0];
	s4 =	simm.s32 $0x1;
	s2 =	sshll.u32 s1, $0x7  }
0x6: {  	s7 =	simm.s32 $0x2;
	s12 =	simm.s32 $0x0;
	s1 =	ssub.s32 $0x1000, s2  }
0x7: {  	s8 =	simm.s32 $0x8000;
	s13 =	simm.s32 $0x0;
	s3 =	sand.u32 $0xF80, s1  }
0x8: {  	s9 =	simm.s32 $0x0;
	s5 =	sshrl.u32 s1, $0xC;
	p0 =	sne.s32 s3, $0x0  }
.Ltmp0:
0x9: {  	s1 =	rddreg [dreg:$0x2];
	s4 =	simm.s32 @!p0 $0x0;
	(pc) =	sbr.rel .LBB1_1-.Ltmp0, $4  }
0xa: {  	s11 =	simm.s32 $0x0;
	s3 =	rddreg [dreg:$0x1];
	s5 =	sadd.s32 s4, s5  }
0xb: {  	_ =	strace $0x8000004A;
	s4 =	simm.s32 $0x1;
	s5 =	smul.u32 $0xC8, s5  }
0xc: {  	s6 =	sadd.s32 $0xA00, s6;
	s10 =	smov.u32 s2;
	[sflag:s4] =	ssyncpa.u1 $0x0  }
0xd: {  	p0 =	por $0x0, $0x0;
	[sflag:s7] =	ssyncpa.u1 $0x0;
	s7 =	sor.u32 $0x1, s5  }
.LBB1_4:
0xe: {  	s16 =	sshll.u32 s13, $0x3;
	s17 =	sand.u32 $0x78, s13  }
0xf: {  	s30 =	sand.u32 $0x7E00, s13;
	s12 =	sshll.u32 s12, $0xF;
	s16 =	sand.u32 $0xC00, s16  }
0x10: {  	[tilespmem:s15+$0x810 ss:$0x81] =	vst.msk $0xffff, v2;
	s31 =	sand.u32 $0x7, s13;
	s16 =	sor.u32 s17, s16;
	s17 =	sadd.s32 s3, s30  }
0x11: {  	[tilespmem:s15+$0x1020 ss:$0x81] =	vst.msk $0xffff, v0;
	s13 =	sshll.u32 s31, $0x12;
	s12 =	sadd.s32 s12, s17;
	s16 =	sshrl.u32 s16, $0x3  }
0x12: {  	[tilespmem:s15+$0x0 ss:$0x81] =	vst.msk $0xffff, v1;
	s13 =	sor.u32 $0x400, s13;
	s12 =	sadd.s32 s16, s12  }
0x13: {  	[hbm4b:s12+s13] =	stream.strided.scatter [tilespmem:s14], [sflag:$0x2], $0x2000, s8, s13, $0x20;
	[tilespmem:$0x8080] =	vst v63  }
.LBB1_5:
0x14: {  	s14 =	sadd.s32 $0x1, s9  }
0x15: {  	s12 =	sadd.s32 $0x1000, s10;
	s16 =	smov.u32 s10;
	p2 =	sgt.s32 s14, $0xC7  }
0x16: {  	s16 =	smov.u32 @p2 s12  }
0x17: {  	s14 =	simm.s32 @p2 $0x0;
	p2 =	sgt.s32 s16, $0xFFF  }
0x18: {  	s16 =	smov.u32 @p2 s2;
	p2 =	sne.s32 s11, s7  }
.Ltmp1:
0x19: {  	p1 =	slt.u32 s11, $0x2;
	(pc) =	sbr.rel @!p2 .LBB1_6-.Ltmp1, $4  }
0x1a: {  	s15 =	simm.s32 @!p1 $0x2  }
0x1b: {  	s13 =	smov.u32 s10;
	p0 =	por !p0, !p0;
	_ =	swait.ge @!p1 [sflag:s15], $0x2000  }
0x1c: {  	s12 =	smov.u32 s9;
	[sflag:s15] =	ssyncset.done @!p1 $0x0;
	s9 =	smov.u32 s14  }
0x1d: {  	s11 =	sadd.s32 $0x1, s11;
	[sflag:s15] =	ssyncadd.s32 @!p1 $0xFFFFE000;
	s10 =	smov.u32 s16  }
.LBB1_1:
0x1e: {  	p1 =	sge.u32 s11, s5  }
0x1f: {  	s14 =	sand.u32 @!p1 $0x1FFFFFF, s9  }
0x20: {  	s15 =	smulhi.u32 @!p1 $0x147AE15, s14;
	_ =	sdelay $0x1  }
0x21: {  	s15 =	smul.u32 @!p1 $0xC8, s15  }
0x22: {  	s16 =	sxor.u32 @!p1 $0xFFFFFFFF, s11;
	s17 =	smul.u32 @!p1 $0xC80, s10  }
0x23: {  	s31 =	sadd.s32 $0xFFFFFFFF, s11;
	s16 =	sshll.u32 @!p1 s16, $0xD;
	s14 =	ssub.s32 @!p1 s14, s15  }
0x24: {  	s15 =	sand.u32 @!p1 $0x2000, s16;
	s16 =	sadd.s32 @!p1 s6, s17;
	s14 =	sshll.u32 @!p1 s14, $0x4  }
0x25: {  	s17 =	simm.s32 @!p1 $0x6400;
	s14 =	sadd.s32 @!p1 s14, s16;
	s16 =	simm.s32 @!p1 $0x40  }
0x26: {  	[tilespmem:s15], [sflag:$0x1] =	stream.strided.gather @!p1 [hbm4b:s14+s16], $0x2000, s17, s16, $0x38;
	[tilespmem:$0x8080] =	vst v63  }
0x27: {  	p1 =	sge.u32 s31, s5  }
.Ltmp2:
0x28: {  	_ = 	snop;
	(pc) =	sbr.rel @p1 .LBB1_5-.Ltmp2, $1  }
0x29: {  	_ =	sdelay $0x3  }
0x2a: {  	s14 =	simm.s32 $0x1  }
0x2b: {  	_ =	swait.ge [sflag:s4], $0x2000;
	s14 =	simm.s32 @!p0 $0x0  }
0x2c: {  	[sflag:s4] =	ssyncset.done $0x0;
	s15 =	sshll.u32 s14, $0xD  }
0x2d: {  	[sflag:s4] =	ssyncadd.s32 $0xFFFFE000;
	s18 =	sor.u32 $0x20, s15  }
0x2e: {  	s14 =	smul.u32 $0x8100, s14;
	v3 =	vld [tilespmem:s18+$0x10]  }
0x2f: {  	s30 =	sand.u32 $0x1, s11;
	v2 =	vld [tilespmem:s18+$0xFFFFFFF0]  }
0x30: {  	s15 =	smul.u32 $0x8100, s30;
	s14 =	sshrl.u32 s14, $0x2;
	v0 =	vld [tilespmem:s18+$0x0]  }
0x31: {  	v1 =	vld [tilespmem:s18+$0xFFFFFFE0];
	s16 =	sor.u32 $0x4000, s14  }
0x32: {  	s31 =	sshrl.u32 s15, $0x2;
	s15 =	sadd.s32 $0x0, s16  }
0x33: {  	s17 =	simm.s32 $0x4;
	s18 =	sadd.s32 $0x40, s18;
	s14 =	sor.u32 $0x4000, s31;
	[tilespmem:s15+$0x1830 ss:$0x81] =	vst.msk $0xffff, v3  }
.LBB1_3:
0x34: {  	v3 =	vld [tilespmem:s18+$0x10];
	p1 =	sne.s32 s17, $0x1FC;
	[tilespmem:s15+$0x810 ss:$0x81] =	vst.msk $0xffff, v2;
	s19 =	smov.u32 s17;
	s17 =	sadd.s32 $0x4, s17  }
.Ltmp3:
0x35: {  	v2 =	vld [tilespmem:s18+$0xFFFFFFF0];
	[tilespmem:s15+$0x1020 ss:$0x81] =	vst.msk $0xffff, v0;
	(pc) =	sbr.rel @p1 .LBB1_3-.Ltmp3, $4  }
0x36: {  	v0 =	vld [tilespmem:s18+$0x0];
	[tilespmem:s15+$0x0 ss:$0x81] =	vst.msk $0xffff, v1  }
0x37: {  	s15 =	sshra.s32 s19, $0x2;
	v1 =	vld [tilespmem:s18+$0xFFFFFFE0]  }
0x38: {  	s15 =	sadd.s32 s15, s16  }
0x39: {  	s18 =	sadd.s32 $0x40, s18;
	[tilespmem:s15+$0x1830 ss:$0x81] =	vst.msk $0xffff, v3  }
.Ltmp4:
0x3a: {  	_ = 	snop;
	(pc) =	sbr.rel .LBB1_4-.Ltmp4, $1  }
0x3b: {  	_ =	sdelay $0x3  }
.LBB1_6:
0x3c: {  	_ =	sfence.sel $0x180000  }
0x3d: {  	s2 =	simm.s32 $0x1;
	[bflag:$0x0] =	sbarrier.arrive $0xFFFF  }
0x3e: {  	s31 =	simm.s32 $0x2;
	[sflag:s2] =	ssyncpa.u1 $0x1  }
0x3f: {  	[sflag:s31] =	ssyncpa.u1 $0x1  }
0x40: {  	p0 =	sne.s32 s0, $0x0;
	_ =	strace $0x9000004A  }
0x41: {  	s0 =	sadd.s32 @!p0 $0x100000, s1;
	[bflag:$0x2] =	sbarrier.arrive $0xFFFF  }
0x42: {  	[sflag:s0] =	ssyncadd.tile.s32 @!p0 $0x1;
	_ =	shalt  }
.Lfunc_end1:
_tile_overlayer_lowered:
.L_overlay_start_2:
0x43: {  	(tag) =	ssettag $0x2  }
0x44: {  	s0 =	rddreg [dreg:$0x0];
	s2 =	stileid.u32  }
0x45: {  	s1 =	rddreg [dreg:$0x1];
	p0 =	sne.s32 s2, $0x0  }
0x46: {  	s3 =	rddreg [dreg:$0x2];
	[bflag:$0x3] =	sbarrier.arrive $0xFFFF;
	s2 =	simm.s32 @!p0 $0x1C01  }
0x47: {  	[timem:s3], [sflag:s2] =	dma.local @!p0 [hbm:s0], s1  }
0x48: {  	s0 =	simm.s32 @!p0 $0x1  }
0x49: {  	_ =	swait.ge @!p0 [sflag:s0], s1  }
0x4a: {  	s1 =	ssub.s32 @!p0 $0x0, s1;
	[sflag:s0] =	ssyncset.done @!p0 $0x0  }
0x4b: {  	[sflag:s0] =	ssyncadd.s32 @!p0 s1  }
0x4c: {  	[bflag:$0x3] =	sbarrier.arrive $0xFFFF  }
0x4d: {  	_ =	shalt  }

</sc_bundles>
